<compile_context>
chip_gen: v7x
topology: tpu7x:2x2x1
jax: 0.10.2.dev20260603
libtpu: 0.0.44.dev20260713+nightly
codegen_flags: <defaults>
</compile_context>

<pallas_src>
import functools

import jax
import jax.numpy as jnp
from jax import lax
from jax.experimental import pallas as pl
from jax.experimental.pallas import tpu as pltpu
from jax.experimental.pallas import tpu_sc as plsc


def _make_sc_rope(b_tot, h, n, d):
    info = plsc.get_sparse_core_info()
    nw = info.num_cores * info.num_subcores
    tg_n = 8
    hg_n = nw // tg_n
    ntok = n // tg_n
    nh = h // hg_n
    mesh = plsc.VectorSubcoreMesh(core_axis_name="c", subcore_axis_name="s")

    npass = 2
    nhu = nh // npass
    buf = lambda: pltpu.VMEM((nhu, ntok, d), jnp.float32)
    row = lambda: pltpu.VMEM((ntok, 2 * d), jnp.float32)

    @functools.partial(
        pl.kernel, mesh=mesh,
        out_type=jax.ShapeDtypeStruct((b_tot, h, n, d), jnp.float32),
        scratch_types=[
            pltpu.VMEM((ntok,), jnp.int32), pltpu.VMEM((ntok,), jnp.int32),
            row(), row(),
            buf(), buf(), buf(), buf(),
            pltpu.SemaphoreType.DMA, pltpu.SemaphoreType.DMA,
            pltpu.SemaphoreType.DMA, pltpu.SemaphoreType.DMA,
        ],
    )
    def sc_rope(ids_hbm, comb_hbm, t_hbm, out_hbm,
                idx0, idx1, comb0, comb1,
                t0, t1, o0, o1, in_s0, in_s1, out_s0, out_s1):
        wid = lax.axis_index("s") * info.num_cores + lax.axis_index("c")
        n0 = pl.multiple_of(lax.rem(wid, tg_n) * ntok, 8)
        h0 = (wid // tg_n) * nh
        slots = ((idx0, comb0, t0, o0, in_s0, out_s0),
                 (idx1, comb1, t1, o1, in_s1, out_s1))

        def unit(u):
            return u // npass, h0 + lax.rem(u, npass) * nhu

        def start_in(u, sl):
            idx_v, comb_r, t_v, _, in_s, _ = slots[sl]
            b, ho = unit(u)
            pltpu.sync_copy(
                ids_hbm.at[pl.ds(pl.multiple_of(b * n + n0, 8), ntok)],
                idx_v)
            pltpu.make_async_copy(comb_hbm.at[idx_v], comb_r, in_s).start()
            pltpu.make_async_copy(
                t_hbm.at[b, pl.ds(ho, nhu), pl.ds(n0, ntok), :], t_v,
                in_s).start()

        def wait_in(u, sl):
            idx_v, comb_r, t_v, _, in_s, _ = slots[sl]
            b, ho = unit(u)
            pltpu.make_async_copy(comb_hbm.at[idx_v], comb_r, in_s).wait()
            pltpu.make_async_copy(
                t_hbm.at[b, pl.ds(ho, nhu), pl.ds(n0, ntok), :], t_v,
                in_s).wait()

        def out_dma(u, sl):
            _, _, _, o_v, _, out_s = slots[sl]
            b, ho = unit(u)
            return pltpu.make_async_copy(
                o_v, out_hbm.at[b, pl.ds(ho, nhu), pl.ds(n0, ntok), :],
                out_s)

        def compute(sl):
            _, comb_r, t_v, o_v, _, _ = slots[sl]
            lane = lax.iota(jnp.int32, 16)
            par = lax.rem(lane, 2)
            swp = lane + 1 - 2 * par
            sign = (2 * par - 1).astype(jnp.float32)
            dn = lax.GatherDimensionNumbers(
                offset_dims=(), collapsed_slice_dims=(0,),
                start_index_map=(0,))

            @pl.loop(0, ntok)
            def _token(nl):
                for k in range(d // 16):
                    cp = comb_r[nl, pl.ds(k * 16, 16)]
                    sp = comb_r[nl, pl.ds(d + k * 16, 16)] * sign
                    for hh in range(nhu):
                        tt = t_v[hh, nl, pl.ds(k * 16, 16)]
                        sw = lax.gather(
                            tt, swp[:, None], dn, (1,),
                            mode=lax.GatherScatterMode.PROMISE_IN_BOUNDS)
                        o_v[hh, nl, pl.ds(k * 16, 16)] = tt * cp + sw * sp

        nu = b_tot * npass
        start_in(0, 0)

        @pl.loop(0, nu, step=2)
        def _pair(u):
            @pl.when(u + 1 < nu)
            def _():
                start_in(u + 1, 1)

            wait_in(u, 0)

            @pl.when(u >= 2)
            def _():
                out_dma(u - 2, 0).wait()

            compute(0)
            out_dma(u, 0).start()

            @pl.when(u + 2 < nu)
            def _():
                start_in(u + 2, 0)

            @pl.when(u + 1 < nu)
            def _():
                wait_in(u + 1, 1)

                @pl.when(u >= 1)
                def _():
                    out_dma(u - 1, 1).wait()

                compute(1)
                out_dma(u + 1, 1).start()

        out_dma(nu - 2, 0).wait()
        out_dma(nu - 1, 1).wait()

    return sc_rope


def kernel(t, rope_ids, freqs_cos, freqs_sin):
    b, h, n, d = t.shape
    comb = jnp.concatenate([freqs_cos, freqs_sin], axis=1)
    return _make_sc_rope(b, h, n, d)(rope_ids.reshape(-1), comb, t)

# --- scband reference (transcript-rebuilt; emitter-appended) ---
"""Pipeline reference for scband-vision-rotary-embedding-fast-2869038153943 (READ-ONLY COPY).

The authoritative reference and input builder live on the scoring server;
editing this copy changes nothing except your own understanding.
"""

import jax, jax.numpy as jnp
import numpy as np

DIM = 32
PT_SEQ = 16
FT_SEQ = 24
THETA = 10000.0


def _build_tables():
    freqs = 1.0 / THETA ** (np.arange(0, DIM, 2)[: DIM // 2].astype(np.float32) / DIM)
    t = np.arange(FT_SEQ, dtype=np.float32) / FT_SEQ * PT_SEQ
    base = t[:, None] * freqs[None, :]
    base = np.repeat(base, 2, axis=-1)
    f2d = np.concatenate(
        [
            np.broadcast_to(base[:, None, :], (FT_SEQ, FT_SEQ, DIM)),
            np.broadcast_to(base[None, :, :], (FT_SEQ, FT_SEQ, DIM)),
        ],
        axis=-1,
    )
    rot_dim = f2d.shape[-1]
    return (
        np.cos(f2d).reshape(-1, rot_dim).astype(np.float32),
        np.sin(f2d).reshape(-1, rot_dim).astype(np.float32),
    )


def rotate_half(x):
    shp = x.shape
    xr = x.reshape(shp[:-1] + (shp[-1] // 2, 2))
    x1 = xr[..., 0]
    x2 = xr[..., 1]
    xs = jnp.stack((-x2, x1), axis=-1)
    return xs.reshape(shp)


def setup_inputs(seed: int = 0):
    key = jax.random.key(seed)
    k1, k2 = jax.random.split(key)
    B, Hh, N = 64, 16, 576
    cos_t, sin_t = _build_tables()
    t = jax.random.normal(k1, (B, Hh, N, 2 * DIM), dtype=jnp.float32)
    rope_ids = jax.random.randint(k2, (B, N), 0, FT_SEQ * FT_SEQ, dtype=jnp.int32)
    return {
        "t": t,
        "rope_ids": rope_ids,
        "freqs_cos": jnp.asarray(cos_t),
        "freqs_sin": jnp.asarray(sin_t),
    }


def reference(t, rope_ids, freqs_cos, freqs_sin):
    # gather per-token cos/sin: (B, N, D) -> (B, 1, N, D) for broadcasting over heads
    cos = jnp.take(freqs_cos, rope_ids, axis=0)[:, None, :, :].astype(t.dtype)
    sin = jnp.take(freqs_sin, rope_ids, axis=0)[:, None, :, :].astype(t.dtype)
    return t * cos + rotate_half(t) * sin

if __name__ == "__main__":
    import jax
    _d = setup_inputs()
    print(jax.jit(kernel)(*tuple(_d.values())))

</pallas_src>

<mosaic_0001>
#map = affine_map<(d0, d1) -> (0)>
#map1 = affine_map<(d0, d1) -> (0, 0)>
#map2 = affine_map<(d0, d1) -> (0, 0, 0, 0)>
module attributes {stable_mosaic.version = 14 : i64} {
  func.func @sc_rope(%arg0: i32, %arg1: i32, %arg2: memref<36864xi32, #tpu.memory_space<hbm>>, %arg3: memref<576x128xf32, #tpu.memory_space<hbm>>, %arg4: memref<64x16x576x64xf32, #tpu.memory_space<hbm>>, %arg5: memref<64x16x576x64xf32, #tpu.memory_space<hbm>>, %arg6: memref<72xi32, #tpu.memory_space<vmem>>, %arg7: memref<72xi32, #tpu.memory_space<vmem>>, %arg8: memref<72x128xf32, #tpu.memory_space<vmem>>, %arg9: memref<72x128xf32, #tpu.memory_space<vmem>>, %arg10: memref<2x72x64xf32, #tpu.memory_space<vmem>>, %arg11: memref<2x72x64xf32, #tpu.memory_space<vmem>>, %arg12: memref<2x72x64xf32, #tpu.memory_space<vmem>>, %arg13: memref<2x72x64xf32, #tpu.memory_space<vmem>>, %arg14: memref<!tpu.dma_semaphore, #tpu.memory_space<semaphore_mem>>, %arg15: memref<!tpu.dma_semaphore, #tpu.memory_space<semaphore_mem>>, %arg16: memref<!tpu.dma_semaphore, #tpu.memory_space<semaphore_mem>>, %arg17: memref<!tpu.dma_semaphore, #tpu.memory_space<semaphore_mem>>) attributes {dimension_semantics = [#tpu.dimension_semantics<core_parallel>, #tpu.dimension_semantics<subcore_parallel>], iteration_bounds = array<i64: 2, 16>, scalar_prefetch = 0 : i64, scratch_operands = 12 : i64, tpu.core_type = #tpu.core_type<sc_vector_subcore>, window_params = [{transform_indices = #map}, {transform_indices = #map1}, {transform_indices = #map2}, {transform_indices = #map2}]} {
    %mul3A = arith.constant 2 : i32
    %mul3A_0 = arith.muli %arg1, %mul3A : i32
    %add3A = arith.addi %mul3A_0, %arg0 : i32
    %rem3A = arith.constant 8 : i32
    %rem3A_1 = arith.remsi %add3A, %rem3A : i32
    %mul3A_2 = arith.constant 72 : i32
    %mul3A_3 = arith.muli %rem3A_1, %mul3A_2 : i32
    %multiple_of3A = tpu.assume_multiple %mul3A_3, 8 : i32
    %jit3A = arith.constant 8 : i32
    %div3A = arith.divsi %add3A, %jit3A : i32
    %sign3A = arith.constant 0 : i32
    %sign3A_4 = arith.cmpi sgt, %add3A, %sign3A : i32
    %sign3A_5 = arith.extui %sign3A_4 : i1 to i32
    %sign3A_6 = arith.constant 0 : i32
    %sign3A_7 = arith.cmpi slt, %add3A, %sign3A_6 : i32
    %sign3A_8 = arith.extui %sign3A_7 : i1 to i32
    %sign3A_9 = arith.subi %sign3A_5, %sign3A_8 : i32
    %sign3A_10 = arith.constant 0 : i32
    %sign3A_11 = arith.cmpi sgt, %jit3A, %sign3A_10 : i32
    %sign3A_12 = arith.extui %sign3A_11 : i1 to i32
    %sign3A_13 = arith.constant 0 : i32
    %sign3A_14 = arith.cmpi slt, %jit3A, %sign3A_13 : i32
    %sign3A_15 = arith.extui %sign3A_14 : i1 to i32
    %sign3A_16 = arith.subi %sign3A_12, %sign3A_15 : i32
    %ne3A = arith.cmpi ne, %sign3A_9, %sign3A_16 : i32
    %rem3A_17 = arith.remsi %add3A, %jit3A : i32
    %ne3A_18 = arith.constant 0 : i32
    %ne3A_19 = arith.cmpi ne, %rem3A_17, %ne3A_18 : i32
    %and3A = arith.andi %ne3A, %ne3A_19 : i1
    %sub3A = arith.constant 1 : i32
    %sub3A_20 = arith.subi %div3A, %sub3A : i32
    %select_n3A = arith.select %and3A, %sub3A_20, %div3A : i32
    %mul3A_21 = arith.constant 4 : i32
    %mul3A_22 = arith.muli %select_n3A, %mul3A_21 : i32
    %rem3A_23 = arith.constant 0 : i32
    %rem3A_24 = arith.constant 2 : i32
    %rem3A_25 = arith.remsi %rem3A_23, %rem3A_24 : i32
    %mul3A_26 = arith.constant 2 : i32
    %mul3A_27 = arith.muli %rem3A_25, %mul3A_26 : i32
    %add3A_28 = arith.addi %mul3A_22, %mul3A_27 : i32
    %add3A_29 = arith.constant 0 : i32
    %add3A_30 = arith.addi %add3A_29, %multiple_of3A : i32
    %multiple_of3A_31 = tpu.assume_multiple %add3A_30, 8 : i32
    "tpu.region"() ({
      %run_scoped3A = tpu.sem_alloc : memref<!tpu.dma_semaphore, #tpu.memory_space<semaphore_mem>>
      %dma_start3A_70 = tpu.memref_slice %arg2[%multiple_of3A_31] : memref<36864xi32, #tpu.memory_space<hbm>> -> memref<72xi32, #tpu.memory_space<hbm>>
      %dma_start3A_71 = tpu.memref_slice %arg2[%multiple_of3A_31] : memref<36864xi32, #tpu.memory_space<hbm>> -> memref<72xi32, #tpu.memory_space<hbm>>
      tpu.enqueue_dma source(%dma_start3A_71 : memref<72xi32, #tpu.memory_space<hbm>>) target(%arg6 : memref<72xi32, #tpu.memory_space<vmem>>) target_semaphore(%run_scoped3A : memref<!tpu.dma_semaphore, #tpu.memory_space<semaphore_mem>>)
      %dma_wait3A_72 = tpu.memref_slice %arg2[%multiple_of3A_31] : memref<36864xi32, #tpu.memory_space<hbm>> -> memref<72xi32, #tpu.memory_space<hbm>>
      %dma_wait3A_73 = tpu.memref_slice %arg2[%multiple_of3A_31] : memref<36864xi32, #tpu.memory_space<hbm>> -> memref<72xi32, #tpu.memory_space<hbm>>
      tpu.wait_dma2 semaphore(%run_scoped3A : memref<!tpu.dma_semaphore, #tpu.memory_space<semaphore_mem>>) src(%dma_wait3A_73 : memref<72xi32, #tpu.memory_space<hbm>>) dst(%arg6 : memref<72xi32, #tpu.memory_space<vmem>>)
      tpu.yield
    }) : () -> ()
    %dma_start3A = arith.constant 0 : i32
    %dma_start3A_32 = arith.constant 0 : i32
    %dma_start3A_33 = tpu.memref_slice %arg3[%dma_start3A, %dma_start3A_32] : memref<576x128xf32, #tpu.memory_space<hbm>> -> memref<576x128xf32, #tpu.memory_space<hbm>>
    tpu.enqueue_indirect_dma source(%dma_start3A_33 : memref<576x128xf32, #tpu.memory_space<hbm>>) target(%arg8 : memref<72x128xf32, #tpu.memory_space<vmem>>) offsets(%arg6 : memref<72xi32, #tpu.memory_space<vmem>>) semaphore(%arg14 : memref<!tpu.dma_semaphore, #tpu.memory_space<semaphore_mem>>)
    %dma_start3A_34 = arith.constant 0 : i32
    %dma_start3A_35 = arith.constant 0 : i32
    %dma_start3A_36 = tpu.memref_slice %arg4[%dma_start3A_34, %add3A_28, %multiple_of3A, %dma_start3A_35] : memref<64x16x576x64xf32, #tpu.memory_space<hbm>> -> memref<1x2x72x64xf32, #tpu.memory_space<hbm>>
    %dma_start3A_37 = tpu.memref_squeeze %dma_start3A_36 : memref<1x2x72x64xf32, #tpu.memory_space<hbm>> -> memref<2x72x64xf32, #tpu.memory_space<hbm>>
    %dma_start3A_38 = arith.constant 0 : i32
    %dma_start3A_39 = tpu.memref_slice %arg4[%dma_start3A_34, %add3A_28, %multiple_of3A, %dma_start3A_38] : memref<64x16x576x64xf32, #tpu.memory_space<hbm>> -> memref<1x2x72x64xf32, #tpu.memory_space<hbm>>
    %dma_start3A_40 = tpu.memref_squeeze %dma_start3A_39 : memref<1x2x72x64xf32, #tpu.memory_space<hbm>> -> memref<2x72x64xf32, #tpu.memory_space<hbm>>
    tpu.enqueue_dma source(%dma_start3A_40 : memref<2x72x64xf32, #tpu.memory_space<hbm>>) target(%arg10 : memref<2x72x64xf32, #tpu.memory_space<vmem>>) target_semaphore(%arg14 : memref<!tpu.dma_semaphore, #tpu.memory_space<semaphore_mem>>)
    %scan3A = arith.constant 0 : i32
    %scan3A_41 = arith.constant 64 : i32
    %scan3A_42 = arith.addi %scan3A, %scan3A_41 : i32
    %scan3A_43 = arith.constant 1 : i32
    scf.for %scan3A_70 = %scan3A to %scan3A_42 step %scan3A_43  : i32 {
      %mul3A_71 = arith.constant 2 : i32
      %mul3A_72 = arith.muli %scan3A_70, %mul3A_71 : i32
      %add3A_73 = arith.constant 0 : i32
      %add3A_74 = arith.addi %add3A_73, %mul3A_72 : i32
      %add3A_75 = arith.constant 1 : i32
      %add3A_76 = arith.addi %add3A_74, %add3A_75 : i32
      %lt3A = arith.constant 128 : i32
      %lt3A_77 = arith.cmpi slt, %add3A_76, %lt3A : i32
      %convert_element_type3A = arith.extui %lt3A_77 : i1 to i32
      %cond3A = arith.constant 0 : i32
      %cond3A_78 = arith.cmpi ne, %convert_element_type3A, %cond3A : i32
      scf.if %cond3A_78 {
        %add3A_192 = arith.constant 1 : i32
        %add3A_193 = arith.addi %add3A_74, %add3A_192 : i32
        %jit3A_194 = arith.constant 2 : i32
        %div3A_195 = arith.divsi %add3A_193, %jit3A_194 : i32
        %sign3A_196 = arith.constant 0 : i32
        %sign3A_197 = arith.cmpi sgt, %add3A_193, %sign3A_196 : i32
        %sign3A_198 = arith.extui %sign3A_197 : i1 to i32
        %sign3A_199 = arith.constant 0 : i32
        %sign3A_200 = arith.cmpi slt, %add3A_193, %sign3A_199 : i32
        %sign3A_201 = arith.extui %sign3A_200 : i1 to i32
        %sign3A_202 = arith.subi %sign3A_198, %sign3A_201 : i32
        %sign3A_203 = arith.constant 0 : i32
        %sign3A_204 = arith.cmpi sgt, %jit3A_194, %sign3A_203 : i32
        %sign3A_205 = arith.extui %sign3A_204 : i1 to i32
        %sign3A_206 = arith.constant 0 : i32
        %sign3A_207 = arith.cmpi slt, %jit3A_194, %sign3A_206 : i32
        %sign3A_208 = arith.extui %sign3A_207 : i1 to i32
        %sign3A_209 = arith.subi %sign3A_205, %sign3A_208 : i32
        %ne3A_210 = arith.cmpi ne, %sign3A_202, %sign3A_209 : i32
        %rem3A_211 = arith.remsi %add3A_193, %jit3A_194 : i32
        %ne3A_212 = arith.constant 0 : i32
        %ne3A_213 = arith.cmpi ne, %rem3A_211, %ne3A_212 : i32
        %and3A_214 = arith.andi %ne3A_210, %ne3A_213 : i1
        %sub3A_215 = arith.constant 1 : i32
        %sub3A_216 = arith.subi %div3A_195, %sub3A_215 : i32
        %select_n3A_217 = arith.select %and3A_214, %sub3A_216, %div3A_195 : i32
        %rem3A_218 = arith.constant 2 : i32
        %rem3A_219 = arith.remsi %add3A_193, %rem3A_218 : i32
        %mul3A_220 = arith.constant 2 : i32
        %mul3A_221 = arith.muli %rem3A_219, %mul3A_220 : i32
        %add3A_222 = arith.addi %mul3A_22, %mul3A_221 : i32
        %mul3A_223 = arith.constant 576 : i32
        %mul3A_224 = arith.muli %select_n3A_217, %mul3A_223 : i32
        %add3A_225 = arith.addi %mul3A_224, %multiple_of3A : i32
        %multiple_of3A_226 = tpu.assume_multiple %add3A_225, 8 : i32
        "tpu.region"() ({
          %run_scoped3A = tpu.sem_alloc : memref<!tpu.dma_semaphore, #tpu.memory_space<semaphore_mem>>
          %dma_start3A_236 = tpu.memref_slice %arg2[%multiple_of3A_226] : memref<36864xi32, #tpu.memory_space<hbm>> -> memref<72xi32, #tpu.memory_space<hbm>>
          %dma_start3A_237 = tpu.memref_slice %arg2[%multiple_of3A_226] : memref<36864xi32, #tpu.memory_space<hbm>> -> memref<72xi32, #tpu.memory_space<hbm>>
          tpu.enqueue_dma source(%dma_start3A_237 : memref<72xi32, #tpu.memory_space<hbm>>) target(%arg7 : memref<72xi32, #tpu.memory_space<vmem>>) target_semaphore(%run_scoped3A : memref<!tpu.dma_semaphore, #tpu.memory_space<semaphore_mem>>)
          %dma_wait3A_238 = tpu.memref_slice %arg2[%multiple_of3A_226] : memref<36864xi32, #tpu.memory_space<hbm>> -> memref<72xi32, #tpu.memory_space<hbm>>
          %dma_wait3A_239 = tpu.memref_slice %arg2[%multiple_of3A_226] : memref<36864xi32, #tpu.memory_space<hbm>> -> memref<72xi32, #tpu.memory_space<hbm>>
          tpu.wait_dma2 semaphore(%run_scoped3A : memref<!tpu.dma_semaphore, #tpu.memory_space<semaphore_mem>>) src(%dma_wait3A_239 : memref<72xi32, #tpu.memory_space<hbm>>) dst(%arg7 : memref<72xi32, #tpu.memory_space<vmem>>)
          tpu.yield
        }) : () -> ()
        %dma_start3A_227 = arith.constant 0 : i32
        %dma_start3A_228 = arith.constant 0 : i32
        %dma_start3A_229 = tpu.memref_slice %arg3[%dma_start3A_227, %dma_start3A_228] : memref<576x128xf32, #tpu.memory_space<hbm>> -> memref<576x128xf32, #tpu.memory_space<hbm>>
        tpu.enqueue_indirect_dma source(%dma_start3A_229 : memref<576x128xf32, #tpu.memory_space<hbm>>) target(%arg9 : memref<72x128xf32, #tpu.memory_space<vmem>>) offsets(%arg7 : memref<72xi32, #tpu.memory_space<vmem>>) semaphore(%arg15 : memref<!tpu.dma_semaphore, #tpu.memory_space<semaphore_mem>>)
        %dma_start3A_230 = arith.constant 0 : i32
        %dma_start3A_231 = tpu.memref_slice %arg4[%select_n3A_217, %add3A_222, %multiple_of3A, %dma_start3A_230] : memref<64x16x576x64xf32, #tpu.memory_space<hbm>> -> memref<1x2x72x64xf32, #tpu.memory_space<hbm>>
        %dma_start3A_232 = tpu.memref_squeeze %dma_start3A_231 : memref<1x2x72x64xf32, #tpu.memory_space<hbm>> -> memref<2x72x64xf32, #tpu.memory_space<hbm>>
        %dma_start3A_233 = arith.constant 0 : i32
        %dma_start3A_234 = tpu.memref_slice %arg4[%select_n3A_217, %add3A_222, %multiple_of3A, %dma_start3A_233] : memref<64x16x576x64xf32, #tpu.memory_space<hbm>> -> memref<1x2x72x64xf32, #tpu.memory_space<hbm>>
        %dma_start3A_235 = tpu.memref_squeeze %dma_start3A_234 : memref<1x2x72x64xf32, #tpu.memory_space<hbm>> -> memref<2x72x64xf32, #tpu.memory_space<hbm>>
        tpu.enqueue_dma source(%dma_start3A_235 : memref<2x72x64xf32, #tpu.memory_space<hbm>>) target(%arg11 : memref<2x72x64xf32, #tpu.memory_space<vmem>>) target_semaphore(%arg15 : memref<!tpu.dma_semaphore, #tpu.memory_space<semaphore_mem>>)
      } else {
      }
      %jit3A_79 = arith.constant 2 : i32
      %div3A_80 = arith.divsi %add3A_74, %jit3A_79 : i32
      %sign3A_81 = arith.constant 0 : i32
      %sign3A_82 = arith.cmpi sgt, %add3A_74, %sign3A_81 : i32
      %sign3A_83 = arith.extui %sign3A_82 : i1 to i32
      %sign3A_84 = arith.constant 0 : i32
      %sign3A_85 = arith.cmpi slt, %add3A_74, %sign3A_84 : i32
      %sign3A_86 = arith.extui %sign3A_85 : i1 to i32
      %sign3A_87 = arith.subi %sign3A_83, %sign3A_86 : i32
      %sign3A_88 = arith.constant 0 : i32
      %sign3A_89 = arith.cmpi sgt, %jit3A_79, %sign3A_88 : i32
      %sign3A_90 = arith.extui %sign3A_89 : i1 to i32
      %sign3A_91 = arith.constant 0 : i32
      %sign3A_92 = arith.cmpi slt, %jit3A_79, %sign3A_91 : i32
      %sign3A_93 = arith.extui %sign3A_92 : i1 to i32
      %sign3A_94 = arith.subi %sign3A_90, %sign3A_93 : i32
      %ne3A_95 = arith.cmpi ne, %sign3A_87, %sign3A_94 : i32
      %rem3A_96 = arith.remsi %add3A_74, %jit3A_79 : i32
      %ne3A_97 = arith.constant 0 : i32
      %ne3A_98 = arith.cmpi ne, %rem3A_96, %ne3A_97 : i32
      %and3A_99 = arith.andi %ne3A_95, %ne3A_98 : i1
      %sub3A_100 = arith.constant 1 : i32
      %sub3A_101 = arith.subi %div3A_80, %sub3A_100 : i32
      %select_n3A_102 = arith.select %and3A_99, %sub3A_101, %div3A_80 : i32
      %rem3A_103 = arith.constant 2 : i32
      %rem3A_104 = arith.remsi %add3A_74, %rem3A_103 : i32
      %mul3A_105 = arith.constant 2 : i32
      %mul3A_106 = arith.muli %rem3A_104, %mul3A_105 : i32
      %add3A_107 = arith.addi %mul3A_22, %mul3A_106 : i32
      %dma_wait3A_108 = arith.constant 0 : i32
      %dma_wait3A_109 = arith.constant 0 : i32
      %dma_wait3A_110 = tpu.memref_slice %arg3[%dma_wait3A_108, %dma_wait3A_109] : memref<576x128xf32, #tpu.memory_space<hbm>> -> memref<576x128xf32, #tpu.memory_space<hbm>>
      tpu.wait_indirect_dma semaphore(%arg14 : memref<!tpu.dma_semaphore, #tpu.memory_space<semaphore_mem>>) src(%dma_wait3A_110 : memref<576x128xf32, #tpu.memory_space<hbm>>) dst(%arg8 : memref<72x128xf32, #tpu.memory_space<vmem>>)
      %dma_wait3A_111 = arith.constant 0 : i32
      %dma_wait3A_112 = tpu.memref_slice %arg4[%select_n3A_102, %add3A_107, %multiple_of3A, %dma_wait3A_111] : memref<64x16x576x64xf32, #tpu.memory_space<hbm>> -> memref<1x2x72x64xf32, #tpu.memory_space<hbm>>
      %dma_wait3A_113 = tpu.memref_squeeze %dma_wait3A_112 : memref<1x2x72x64xf32, #tpu.memory_space<hbm>> -> memref<2x72x64xf32, #tpu.memory_space<hbm>>
      %dma_wait3A_114 = arith.constant 0 : i32
      %dma_wait3A_115 = tpu.memref_slice %arg4[%select_n3A_102, %add3A_107, %multiple_of3A, %dma_wait3A_114] : memref<64x16x576x64xf32, #tpu.memory_space<hbm>> -> memref<1x2x72x64xf32, #tpu.memory_space<hbm>>
      %dma_wait3A_116 = tpu.memref_squeeze %dma_wait3A_115 : memref<1x2x72x64xf32, #tpu.memory_space<hbm>> -> memref<2x72x64xf32, #tpu.memory_space<hbm>>
      tpu.wait_dma2 semaphore(%arg14 : memref<!tpu.dma_semaphore, #tpu.memory_space<semaphore_mem>>) src(%dma_wait3A_116 : memref<2x72x64xf32, #tpu.memory_space<hbm>>) dst(%arg10 : memref<2x72x64xf32, #tpu.memory_space<vmem>>)
      %ge3A = arith.constant 2 : i32
      %ge3A_117 = arith.cmpi sge, %add3A_74, %ge3A : i32
      %convert_element_type3A_118 = arith.extui %ge3A_117 : i1 to i32
      %cond3A_119 = arith.constant 0 : i32
      %cond3A_120 = arith.cmpi ne, %convert_element_type3A_118, %cond3A_119 : i32
      scf.if %cond3A_120 {
        %sub3A_192 = arith.constant 2 : i32
        %sub3A_193 = arith.subi %add3A_74, %sub3A_192 : i32
        %jit3A_194 = arith.constant 2 : i32
        %div3A_195 = arith.divsi %sub3A_193, %jit3A_194 : i32
        %sign3A_196 = arith.constant 0 : i32
        %sign3A_197 = arith.cmpi sgt, %sub3A_193, %sign3A_196 : i32
        %sign3A_198 = arith.extui %sign3A_197 : i1 to i32
        %sign3A_199 = arith.constant 0 : i32
        %sign3A_200 = arith.cmpi slt, %sub3A_193, %sign3A_199 : i32
        %sign3A_201 = arith.extui %sign3A_200 : i1 to i32
        %sign3A_202 = arith.subi %sign3A_198, %sign3A_201 : i32
        %sign3A_203 = arith.constant 0 : i32
        %sign3A_204 = arith.cmpi sgt, %jit3A_194, %sign3A_203 : i32
        %sign3A_205 = arith.extui %sign3A_204 : i1 to i32
        %sign3A_206 = arith.constant 0 : i32
        %sign3A_207 = arith.cmpi slt, %jit3A_194, %sign3A_206 : i32
        %sign3A_208 = arith.extui %sign3A_207 : i1 to i32
        %sign3A_209 = arith.subi %sign3A_205, %sign3A_208 : i32
        %ne3A_210 = arith.cmpi ne, %sign3A_202, %sign3A_209 : i32
        %rem3A_211 = arith.remsi %sub3A_193, %jit3A_194 : i32
        %ne3A_212 = arith.constant 0 : i32
        %ne3A_213 = arith.cmpi ne, %rem3A_211, %ne3A_212 : i32
        %and3A_214 = arith.andi %ne3A_210, %ne3A_213 : i1
        %sub3A_215 = arith.constant 1 : i32
        %sub3A_216 = arith.subi %div3A_195, %sub3A_215 : i32
        %select_n3A_217 = arith.select %and3A_214, %sub3A_216, %div3A_195 : i32
        %rem3A_218 = arith.constant 2 : i32
        %rem3A_219 = arith.remsi %sub3A_193, %rem3A_218 : i32
        %mul3A_220 = arith.constant 2 : i32
        %mul3A_221 = arith.muli %rem3A_219, %mul3A_220 : i32
        %add3A_222 = arith.addi %mul3A_22, %mul3A_221 : i32
        %dma_wait3A_223 = arith.constant 0 : i32
        %dma_wait3A_224 = tpu.memref_slice %arg5[%select_n3A_217, %add3A_222, %multiple_of3A, %dma_wait3A_223] : memref<64x16x576x64xf32, #tpu.memory_space<hbm>> -> memref<1x2x72x64xf32, #tpu.memory_space<hbm>>
        %dma_wait3A_225 = tpu.memref_squeeze %dma_wait3A_224 : memref<1x2x72x64xf32, #tpu.memory_space<hbm>> -> memref<2x72x64xf32, #tpu.memory_space<hbm>>
        %dma_wait3A_226 = arith.constant 0 : i32
        %dma_wait3A_227 = tpu.memref_slice %arg5[%select_n3A_217, %add3A_222, %multiple_of3A, %dma_wait3A_226] : memref<64x16x576x64xf32, #tpu.memory_space<hbm>> -> memref<1x2x72x64xf32, #tpu.memory_space<hbm>>
        %dma_wait3A_228 = tpu.memref_squeeze %dma_wait3A_227 : memref<1x2x72x64xf32, #tpu.memory_space<hbm>> -> memref<2x72x64xf32, #tpu.memory_space<hbm>>
        tpu.wait_dma2 semaphore(%arg16 : memref<!tpu.dma_semaphore, #tpu.memory_space<semaphore_mem>>) src(%arg12 : memref<2x72x64xf32, #tpu.memory_space<vmem>>) dst(%dma_wait3A_228 : memref<2x72x64xf32, #tpu.memory_space<hbm>>)
      } else {
      }
      %iota3A = tpu.iota {dimensions = array<i32: 0>} : vector<16xi32>
      %rem3A_121 = arith.constant 2 : i32
      %rem3A_122 = vector.broadcast %rem3A_121 : i32 to vector<16xi32>
      %rem3A_123 = arith.remsi %iota3A, %rem3A_122 : vector<16xi32>
      %add3A_124 = arith.constant 1 : i32
      %add3A_125 = vector.broadcast %add3A_124 : i32 to vector<16xi32>
      %add3A_126 = arith.addi %iota3A, %add3A_125 : vector<16xi32>
      %mul3A_127 = arith.constant 2 : i32
      %mul3A_128 = vector.broadcast %mul3A_127 : i32 to vector<16xi32>
      %mul3A_129 = arith.muli %mul3A_128, %rem3A_123 : vector<16xi32>
      %sub3A_130 = arith.subi %add3A_126, %mul3A_129 : vector<16xi32>
      %mul3A_131 = arith.constant 2 : i32
      %mul3A_132 = vector.broadcast %mul3A_131 : i32 to vector<16xi32>
      %mul3A_133 = arith.muli %mul3A_132, %rem3A_123 : vector<16xi32>
      %sub3A_134 = arith.constant 1 : i32
      %sub3A_135 = vector.broadcast %sub3A_134 : i32 to vector<16xi32>
      %sub3A_136 = arith.subi %mul3A_133, %sub3A_135 : vector<16xi32>
      %convert_element_type3A_137 = arith.sitofp %sub3A_136 : vector<16xi32> to vector<16xf32>
      %scan3A_138 = arith.constant 0 : i32
      %scan3A_139 = arith.constant 72 : i32
      %scan3A_140 = arith.addi %scan3A_138, %scan3A_139 : i32
      %scan3A_141 = arith.constant 1 : i32
      scf.for %scan3A_192 = %scan3A_138 to %scan3A_140 step %scan3A_141  : i32 {
        %mul3A_193 = arith.constant 1 : i32
        %mul3A_194 = arith.muli %scan3A_192, %mul3A_193 : i32
        %add3A_195 = arith.constant 0 : i32
        %add3A_196 = arith.addi %add3A_195, %mul3A_194 : i32
        %get3A = arith.index_cast %add3A_196 : i32 to index
        %get3A_197 = arith.constant 0 : index
        %get3A_198 = tpu.vector_load %arg8[%get3A, %get3A_197] {strides = array<i32>} : memref<72x128xf32, #tpu.memory_space<vmem>>, vector<1x16xf32>,
        %get3A_199 = vector.shape_cast %get3A_198 : vector<1x16xf32> to vector<16xf32>
        %get3A_200 = arith.index_cast %add3A_196 : i32 to index
        %get3A_201 = arith.constant 64 : index
        %get3A_202 = tpu.vector_load %arg8[%get3A_200, %get3A_201] {strides = array<i32>} : memref<72x128xf32, #tpu.memory_space<vmem>>, vector<1x16xf32>,
        %get3A_203 = vector.shape_cast %get3A_202 : vector<1x16xf32> to vector<16xf32>
        %mul3A_204 = arith.mulf %get3A_203, %convert_element_type3A_137 : vector<16xf32>
        %get3A_205 = arith.constant 0 : i32
        %get3A_206 = arith.index_cast %get3A_205 : i32 to index
        %get3A_207 = arith.index_cast %add3A_196 : i32 to index
        %get3A_208 = arith.constant 0 : index
        %get3A_209 = tpu.vector_load %arg10[%get3A_206, %get3A_207, %get3A_208] {strides = array<i32>} : memref<2x72x64xf32, #tpu.memory_space<vmem>>, vector<1x1x16xf32>,
        %get3A_210 = vector.shape_cast %get3A_209 : vector<1x1x16xf32> to vector<16xf32>
        %broadcast_in_dim3A = vector.shape_cast %sub3A_130 : vector<16xi32> to vector<16x1xi32>
        %gather3A = vector.shape_cast %broadcast_in_dim3A : vector<16x1xi32> to vector<16xi32>
        %gather3A_211 = tpu.dynamic_gather %get3A_210[%gather3A] in [0] : vector<16xf32>, vector<16xi32> -> vector<16xf32>
        %mul3A_212 = arith.mulf %get3A_210, %get3A_199 : vector<16xf32>
        %mul3A_213 = arith.mulf %gather3A_211, %mul3A_204 : vector<16xf32>
        %add3A_214 = arith.addf %mul3A_212, %mul3A_213 : vector<16xf32>
        %swap3A = arith.constant 0 : i32
        %swap3A_215 = arith.index_cast %swap3A : i32 to index
        %swap3A_216 = arith.index_cast %add3A_196 : i32 to index
        %swap3A_217 = arith.constant 0 : index
        %swap3A_218 = tpu.vector_load %arg12[%swap3A_215, %swap3A_216, %swap3A_217] {strides = array<i32>} : memref<2x72x64xf32, #tpu.memory_space<vmem>>, vector<1x1x16xf32>,
        %swap3A_219 = vector.shape_cast %swap3A_218 : vector<1x1x16xf32> to vector<16xf32>
        %swap3A_220 = vector.shape_cast %add3A_214 : vector<16xf32> to vector<1x1x16xf32>
        tpu.vector_store %arg12[%swap3A_215, %swap3A_216, %swap3A_217], %swap3A_220 {strides = array<i32>} : memref<2x72x64xf32, #tpu.memory_space<vmem>>, vector<1x1x16xf32>,
        %get3A_221 = arith.constant 1 : i32
        %get3A_222 = arith.index_cast %get3A_221 : i32 to index
        %get3A_223 = arith.index_cast %add3A_196 : i32 to index
        %get3A_224 = arith.constant 0 : index
        %get3A_225 = tpu.vector_load %arg10[%get3A_222, %get3A_223, %get3A_224] {strides = array<i32>} : memref<2x72x64xf32, #tpu.memory_space<vmem>>, vector<1x1x16xf32>,
        %get3A_226 = vector.shape_cast %get3A_225 : vector<1x1x16xf32> to vector<16xf32>
        %broadcast_in_dim3A_227 = vector.shape_cast %sub3A_130 : vector<16xi32> to vector<16x1xi32>
        %gather3A_228 = vector.shape_cast %broadcast_in_dim3A_227 : vector<16x1xi32> to vector<16xi32>
        %gather3A_229 = tpu.dynamic_gather %get3A_226[%gather3A_228] in [0] : vector<16xf32>, vector<16xi32> -> vector<16xf32>
        %mul3A_230 = arith.mulf %get3A_226, %get3A_199 : vector<16xf32>
        %mul3A_231 = arith.mulf %gather3A_229, %mul3A_204 : vector<16xf32>
        %add3A_232 = arith.addf %mul3A_230, %mul3A_231 : vector<16xf32>
        %swap3A_233 = arith.constant 1 : i32
        %swap3A_234 = arith.index_cast %swap3A_233 : i32 to index
        %swap3A_235 = arith.index_cast %add3A_196 : i32 to index
        %swap3A_236 = arith.constant 0 : index
        %swap3A_237 = tpu.vector_load %arg12[%swap3A_234, %swap3A_235, %swap3A_236] {strides = array<i32>} : memref<2x72x64xf32, #tpu.memory_space<vmem>>, vector<1x1x16xf32>,
        %swap3A_238 = vector.shape_cast %swap3A_237 : vector<1x1x16xf32> to vector<16xf32>
        %swap3A_239 = vector.shape_cast %add3A_232 : vector<16xf32> to vector<1x1x16xf32>
        tpu.vector_store %arg12[%swap3A_234, %swap3A_235, %swap3A_236], %swap3A_239 {strides = array<i32>} : memref<2x72x64xf32, #tpu.memory_space<vmem>>, vector<1x1x16xf32>,
        %get3A_240 = arith.index_cast %add3A_196 : i32 to index
        %get3A_241 = arith.constant 16 : index
        %get3A_242 = tpu.vector_load %arg8[%get3A_240, %get3A_241] {strides = array<i32>} : memref<72x128xf32, #tpu.memory_space<vmem>>, vector<1x16xf32>,
        %get3A_243 = vector.shape_cast %get3A_242 : vector<1x16xf32> to vector<16xf32>
        %get3A_244 = arith.index_cast %add3A_196 : i32 to index
        %get3A_245 = arith.constant 80 : index
        %get3A_246 = tpu.vector_load %arg8[%get3A_244, %get3A_245] {strides = array<i32>} : memref<72x128xf32, #tpu.memory_space<vmem>>, vector<1x16xf32>,
        %get3A_247 = vector.shape_cast %get3A_246 : vector<1x16xf32> to vector<16xf32>
        %mul3A_248 = arith.mulf %get3A_247, %convert_element_type3A_137 : vector<16xf32>
        %get3A_249 = arith.constant 0 : i32
        %get3A_250 = arith.index_cast %get3A_249 : i32 to index
        %get3A_251 = arith.index_cast %add3A_196 : i32 to index
        %get3A_252 = arith.constant 16 : index
        %get3A_253 = tpu.vector_load %arg10[%get3A_250, %get3A_251, %get3A_252] {strides = array<i32>} : memref<2x72x64xf32, #tpu.memory_space<vmem>>, vector<1x1x16xf32>,
        %get3A_254 = vector.shape_cast %get3A_253 : vector<1x1x16xf32> to vector<16xf32>
        %broadcast_in_dim3A_255 = vector.shape_cast %sub3A_130 : vector<16xi32> to vector<16x1xi32>
        %gather3A_256 = vector.shape_cast %broadcast_in_dim3A_255 : vector<16x1xi32> to vector<16xi32>
        %gather3A_257 = tpu.dynamic_gather %get3A_254[%gather3A_256] in [0] : vector<16xf32>, vector<16xi32> -> vector<16xf32>
        %mul3A_258 = arith.mulf %get3A_254, %get3A_243 : vector<16xf32>
        %mul3A_259 = arith.mulf %gather3A_257, %mul3A_248 : vector<16xf32>
        %add3A_260 = arith.addf %mul3A_258, %mul3A_259 : vector<16xf32>
        %swap3A_261 = arith.constant 0 : i32
        %swap3A_262 = arith.index_cast %swap3A_261 : i32 to index
        %swap3A_263 = arith.index_cast %add3A_196 : i32 to index
        %swap3A_264 = arith.constant 16 : index
        %swap3A_265 = tpu.vector_load %arg12[%swap3A_262, %swap3A_263, %swap3A_264] {strides = array<i32>} : memref<2x72x64xf32, #tpu.memory_space<vmem>>, vector<1x1x16xf32>,
        %swap3A_266 = vector.shape_cast %swap3A_265 : vector<1x1x16xf32> to vector<16xf32>
        %swap3A_267 = vector.shape_cast %add3A_260 : vector<16xf32> to vector<1x1x16xf32>
        tpu.vector_store %arg12[%swap3A_262, %swap3A_263, %swap3A_264], %swap3A_267 {strides = array<i32>} : memref<2x72x64xf32, #tpu.memory_space<vmem>>, vector<1x1x16xf32>,
        %get3A_268 = arith.constant 1 : i32
        %get3A_269 = arith.index_cast %get3A_268 : i32 to index
        %get3A_270 = arith.index_cast %add3A_196 : i32 to index
        %get3A_271 = arith.constant 16 : index
        %get3A_272 = tpu.vector_load %arg10[%get3A_269, %get3A_270, %get3A_271] {strides = array<i32>} : memref<2x72x64xf32, #tpu.memory_space<vmem>>, vector<1x1x16xf32>,
        %get3A_273 = vector.shape_cast %get3A_272 : vector<1x1x16xf32> to vector<16xf32>
        %broadcast_in_dim3A_274 = vector.shape_cast %sub3A_130 : vector<16xi32> to vector<16x1xi32>
        %gather3A_275 = vector.shape_cast %broadcast_in_dim3A_274 : vector<16x1xi32> to vector<16xi32>
        %gather3A_276 = tpu.dynamic_gather %get3A_273[%gather3A_275] in [0] : vector<16xf32>, vector<16xi32> -> vector<16xf32>
        %mul3A_277 = arith.mulf %get3A_273, %get3A_243 : vector<16xf32>
        %mul3A_278 = arith.mulf %gather3A_276, %mul3A_248 : vector<16xf32>
        %add3A_279 = arith.addf %mul3A_277, %mul3A_278 : vector<16xf32>
        %swap3A_280 = arith.constant 1 : i32
        %swap3A_281 = arith.index_cast %swap3A_280 : i32 to index
        %swap3A_282 = arith.index_cast %add3A_196 : i32 to index
        %swap3A_283 = arith.constant 16 : index
        %swap3A_284 = tpu.vector_load %arg12[%swap3A_281, %swap3A_282, %swap3A_283] {strides = array<i32>} : memref<2x72x64xf32, #tpu.memory_space<vmem>>, vector<1x1x16xf32>,
        %swap3A_285 = vector.shape_cast %swap3A_284 : vector<1x1x16xf32> to vector<16xf32>
        %swap3A_286 = vector.shape_cast %add3A_279 : vector<16xf32> to vector<1x1x16xf32>
        tpu.vector_store %arg12[%swap3A_281, %swap3A_282, %swap3A_283], %swap3A_286 {strides = array<i32>} : memref<2x72x64xf32, #tpu.memory_space<vmem>>, vector<1x1x16xf32>,
        %get3A_287 = arith.index_cast %add3A_196 : i32 to index
        %get3A_288 = arith.constant 32 : index
        %get3A_289 = tpu.vector_load %arg8[%get3A_287, %get3A_288] {strides = array<i32>} : memref<72x128xf32, #tpu.memory_space<vmem>>, vector<1x16xf32>,
        %get3A_290 = vector.shape_cast %get3A_289 : vector<1x16xf32> to vector<16xf32>
        %get3A_291 = arith.index_cast %add3A_196 : i32 to index
        %get3A_292 = arith.constant 96 : index
        %get3A_293 = tpu.vector_load %arg8[%get3A_291, %get3A_292] {strides = array<i32>} : memref<72x128xf32, #tpu.memory_space<vmem>>, vector<1x16xf32>,
        %get3A_294 = vector.shape_cast %get3A_293 : vector<1x16xf32> to vector<16xf32>
        %mul3A_295 = arith.mulf %get3A_294, %convert_element_type3A_137 : vector<16xf32>
        %get3A_296 = arith.constant 0 : i32
        %get3A_297 = arith.index_cast %get3A_296 : i32 to index
        %get3A_298 = arith.index_cast %add3A_196 : i32 to index
        %get3A_299 = arith.constant 32 : index
        %get3A_300 = tpu.vector_load %arg10[%get3A_297, %get3A_298, %get3A_299] {strides = array<i32>} : memref<2x72x64xf32, #tpu.memory_space<vmem>>, vector<1x1x16xf32>,
        %get3A_301 = vector.shape_cast %get3A_300 : vector<1x1x16xf32> to vector<16xf32>
        %broadcast_in_dim3A_302 = vector.shape_cast %sub3A_130 : vector<16xi32> to vector<16x1xi32>
        %gather3A_303 = vector.shape_cast %broadcast_in_dim3A_302 : vector<16x1xi32> to vector<16xi32>
        %gather3A_304 = tpu.dynamic_gather %get3A_301[%gather3A_303] in [0] : vector<16xf32>, vector<16xi32> -> vector<16xf32>
        %mul3A_305 = arith.mulf %get3A_301, %get3A_290 : vector<16xf32>
        %mul3A_306 = arith.mulf %gather3A_304, %mul3A_295 : vector<16xf32>
        %add3A_307 = arith.addf %mul3A_305, %mul3A_306 : vector<16xf32>
        %swap3A_308 = arith.constant 0 : i32
        %swap3A_309 = arith.index_cast %swap3A_308 : i32 to index
        %swap3A_310 = arith.index_cast %add3A_196 : i32 to index
        %swap3A_311 = arith.constant 32 : index
        %swap3A_312 = tpu.vector_load %arg12[%swap3A_309, %swap3A_310, %swap3A_311] {strides = array<i32>} : memref<2x72x64xf32, #tpu.memory_space<vmem>>, vector<1x1x16xf32>,
        %swap3A_313 = vector.shape_cast %swap3A_312 : vector<1x1x16xf32> to vector<16xf32>
        %swap3A_314 = vector.shape_cast %add3A_307 : vector<16xf32> to vector<1x1x16xf32>
        tpu.vector_store %arg12[%swap3A_309, %swap3A_310, %swap3A_311], %swap3A_314 {strides = array<i32>} : memref<2x72x64xf32, #tpu.memory_space<vmem>>, vector<1x1x16xf32>,
        %get3A_315 = arith.constant 1 : i32
        %get3A_316 = arith.index_cast %get3A_315 : i32 to index
        %get3A_317 = arith.index_cast %add3A_196 : i32 to index
        %get3A_318 = arith.constant 32 : index
        %get3A_319 = tpu.vector_load %arg10[%get3A_316, %get3A_317, %get3A_318] {strides = array<i32>} : memref<2x72x64xf32, #tpu.memory_space<vmem>>, vector<1x1x16xf32>,
        %get3A_320 = vector.shape_cast %get3A_319 : vector<1x1x16xf32> to vector<16xf32>
        %broadcast_in_dim3A_321 = vector.shape_cast %sub3A_130 : vector<16xi32> to vector<16x1xi32>
        %gather3A_322 = vector.shape_cast %broadcast_in_dim3A_321 : vector<16x1xi32> to vector<16xi32>
        %gather3A_323 = tpu.dynamic_gather %get3A_320[%gather3A_322] in [0] : vector<16xf32>, vector<16xi32> -> vector<16xf32>
        %mul3A_324 = arith.mulf %get3A_320, %get3A_290 : vector<16xf32>
        %mul3A_325 = arith.mulf %gather3A_323, %mul3A_295 : vector<16xf32>
        %add3A_326 = arith.addf %mul3A_324, %mul3A_325 : vector<16xf32>
        %swap3A_327 = arith.constant 1 : i32
        %swap3A_328 = arith.index_cast %swap3A_327 : i32 to index
        %swap3A_329 = arith.index_cast %add3A_196 : i32 to index
        %swap3A_330 = arith.constant 32 : index
        %swap3A_331 = tpu.vector_load %arg12[%swap3A_328, %swap3A_329, %swap3A_330] {strides = array<i32>} : memref<2x72x64xf32, #tpu.memory_space<vmem>>, vector<1x1x16xf32>,
        %swap3A_332 = vector.shape_cast %swap3A_331 : vector<1x1x16xf32> to vector<16xf32>
        %swap3A_333 = vector.shape_cast %add3A_326 : vector<16xf32> to vector<1x1x16xf32>
        tpu.vector_store %arg12[%swap3A_328, %swap3A_329, %swap3A_330], %swap3A_333 {strides = array<i32>} : memref<2x72x64xf32, #tpu.memory_space<vmem>>, vector<1x1x16xf32>,
        %get3A_334 = arith.index_cast %add3A_196 : i32 to index
        %get3A_335 = arith.constant 48 : index
        %get3A_336 = tpu.vector_load %arg8[%get3A_334, %get3A_335] {strides = array<i32>} : memref<72x128xf32, #tpu.memory_space<vmem>>, vector<1x16xf32>,
        %get3A_337 = vector.shape_cast %get3A_336 : vector<1x16xf32> to vector<16xf32>
        %get3A_338 = arith.index_cast %add3A_196 : i32 to index
        %get3A_339 = arith.constant 112 : index
        %get3A_340 = tpu.vector_load %arg8[%get3A_338, %get3A_339] {strides = array<i32>} : memref<72x128xf32, #tpu.memory_space<vmem>>, vector<1x16xf32>,
        %get3A_341 = vector.shape_cast %get3A_340 : vector<1x16xf32> to vector<16xf32>
        %mul3A_342 = arith.mulf %get3A_341, %convert_element_type3A_137 : vector<16xf32>
        %get3A_343 = arith.constant 0 : i32
        %get3A_344 = arith.index_cast %get3A_343 : i32 to index
        %get3A_345 = arith.index_cast %add3A_196 : i32 to index
        %get3A_346 = arith.constant 48 : index
        %get3A_347 = tpu.vector_load %arg10[%get3A_344, %get3A_345, %get3A_346] {strides = array<i32>} : memref<2x72x64xf32, #tpu.memory_space<vmem>>, vector<1x1x16xf32>,
        %get3A_348 = vector.shape_cast %get3A_347 : vector<1x1x16xf32> to vector<16xf32>
        %broadcast_in_dim3A_349 = vector.shape_cast %sub3A_130 : vector<16xi32> to vector<16x1xi32>
        %gather3A_350 = vector.shape_cast %broadcast_in_dim3A_349 : vector<16x1xi32> to vector<16xi32>
        %gather3A_351 = tpu.dynamic_gather %get3A_348[%gather3A_350] in [0] : vector<16xf32>, vector<16xi32> -> vector<16xf32>
        %mul3A_352 = arith.mulf %get3A_348, %get3A_337 : vector<16xf32>
        %mul3A_353 = arith.mulf %gather3A_351, %mul3A_342 : vector<16xf32>
        %add3A_354 = arith.addf %mul3A_352, %mul3A_353 : vector<16xf32>
        %swap3A_355 = arith.constant 0 : i32
        %swap3A_356 = arith.index_cast %swap3A_355 : i32 to index
        %swap3A_357 = arith.index_cast %add3A_196 : i32 to index
        %swap3A_358 = arith.constant 48 : index
        %swap3A_359 = tpu.vector_load %arg12[%swap3A_356, %swap3A_357, %swap3A_358] {strides = array<i32>} : memref<2x72x64xf32, #tpu.memory_space<vmem>>, vector<1x1x16xf32>,
        %swap3A_360 = vector.shape_cast %swap3A_359 : vector<1x1x16xf32> to vector<16xf32>
        %swap3A_361 = vector.shape_cast %add3A_354 : vector<16xf32> to vector<1x1x16xf32>
        tpu.vector_store %arg12[%swap3A_356, %swap3A_357, %swap3A_358], %swap3A_361 {strides = array<i32>} : memref<2x72x64xf32, #tpu.memory_space<vmem>>, vector<1x1x16xf32>,
        %get3A_362 = arith.constant 1 : i32
        %get3A_363 = arith.index_cast %get3A_362 : i32 to index
        %get3A_364 = arith.index_cast %add3A_196 : i32 to index
        %get3A_365 = arith.constant 48 : index
        %get3A_366 = tpu.vector_load %arg10[%get3A_363, %get3A_364, %get3A_365] {strides = array<i32>} : memref<2x72x64xf32, #tpu.memory_space<vmem>>, vector<1x1x16xf32>,
        %get3A_367 = vector.shape_cast %get3A_366 : vector<1x1x16xf32> to vector<16xf32>
        %broadcast_in_dim3A_368 = vector.shape_cast %sub3A_130 : vector<16xi32> to vector<16x1xi32>
        %gather3A_369 = vector.shape_cast %broadcast_in_dim3A_368 : vector<16x1xi32> to vector<16xi32>
        %gather3A_370 = tpu.dynamic_gather %get3A_367[%gather3A_369] in [0] : vector<16xf32>, vector<16xi32> -> vector<16xf32>
        %mul3A_371 = arith.mulf %get3A_367, %get3A_337 : vector<16xf32>
        %mul3A_372 = arith.mulf %gather3A_370, %mul3A_342 : vector<16xf32>
        %add3A_373 = arith.addf %mul3A_371, %mul3A_372 : vector<16xf32>
        %swap3A_374 = arith.constant 1 : i32
        %swap3A_375 = arith.index_cast %swap3A_374 : i32 to index
        %swap3A_376 = arith.index_cast %add3A_196 : i32 to index
        %swap3A_377 = arith.constant 48 : index
        %swap3A_378 = tpu.vector_load %arg12[%swap3A_375, %swap3A_376, %swap3A_377] {strides = array<i32>} : memref<2x72x64xf32, #tpu.memory_space<vmem>>, vector<1x1x16xf32>,
        %swap3A_379 = vector.shape_cast %swap3A_378 : vector<1x1x16xf32> to vector<16xf32>
        %swap3A_380 = vector.shape_cast %add3A_373 : vector<16xf32> to vector<1x1x16xf32>
        tpu.vector_store %arg12[%swap3A_375, %swap3A_376, %swap3A_377], %swap3A_380 {strides = array<i32>} : memref<2x72x64xf32, #tpu.memory_space<vmem>>, vector<1x1x16xf32>,
      }
      %scan3A_142 = arith.constant 72 : i32
      %jit3A_143 = arith.constant 2 : i32
      %div3A_144 = arith.divsi %add3A_74, %jit3A_143 : i32
      %sign3A_145 = arith.constant 0 : i32
      %sign3A_146 = arith.cmpi sgt, %add3A_74, %sign3A_145 : i32
      %sign3A_147 = arith.extui %sign3A_146 : i1 to i32
      %sign3A_148 = arith.constant 0 : i32
      %sign3A_149 = arith.cmpi slt, %add3A_74, %sign3A_148 : i32
      %sign3A_150 = arith.extui %sign3A_149 : i1 to i32
      %sign3A_151 = arith.subi %sign3A_147, %sign3A_150 : i32
      %sign3A_152 = arith.constant 0 : i32
      %sign3A_153 = arith.cmpi sgt, %jit3A_143, %sign3A_152 : i32
      %sign3A_154 = arith.extui %sign3A_153 : i1 to i32
      %sign3A_155 = arith.constant 0 : i32
      %sign3A_156 = arith.cmpi slt, %jit3A_143, %sign3A_155 : i32
      %sign3A_157 = arith.extui %sign3A_156 : i1 to i32
      %sign3A_158 = arith.subi %sign3A_154, %sign3A_157 : i32
      %ne3A_159 = arith.cmpi ne, %sign3A_151, %sign3A_158 : i32
      %rem3A_160 = arith.remsi %add3A_74, %jit3A_143 : i32
      %ne3A_161 = arith.constant 0 : i32
      %ne3A_162 = arith.cmpi ne, %rem3A_160, %ne3A_161 : i32
      %and3A_163 = arith.andi %ne3A_159, %ne3A_162 : i1
      %sub3A_164 = arith.constant 1 : i32
      %sub3A_165 = arith.subi %div3A_144, %sub3A_164 : i32
      %select_n3A_166 = arith.select %and3A_163, %sub3A_165, %div3A_144 : i32
      %rem3A_167 = arith.constant 2 : i32
      %rem3A_168 = arith.remsi %add3A_74, %rem3A_167 : i32
      %mul3A_169 = arith.constant 2 : i32
      %mul3A_170 = arith.muli %rem3A_168, %mul3A_169 : i32
      %add3A_171 = arith.addi %mul3A_22, %mul3A_170 : i32
      %dma_start3A_172 = arith.constant 0 : i32
      %dma_start3A_173 = tpu.memref_slice %arg5[%select_n3A_166, %add3A_171, %multiple_of3A, %dma_start3A_172] : memref<64x16x576x64xf32, #tpu.memory_space<hbm>> -> memref<1x2x72x64xf32, #tpu.memory_space<hbm>>
      %dma_start3A_174 = tpu.memref_squeeze %dma_start3A_173 : memref<1x2x72x64xf32, #tpu.memory_space<hbm>> -> memref<2x72x64xf32, #tpu.memory_space<hbm>>
      %dma_start3A_175 = arith.constant 0 : i32
      %dma_start3A_176 = tpu.memref_slice %arg5[%select_n3A_166, %add3A_171, %multiple_of3A, %dma_start3A_175] : memref<64x16x576x64xf32, #tpu.memory_space<hbm>> -> memref<1x2x72x64xf32, #tpu.memory_space<hbm>>
      %dma_start3A_177 = tpu.memref_squeeze %dma_start3A_176 : memref<1x2x72x64xf32, #tpu.memory_space<hbm>> -> memref<2x72x64xf32, #tpu.memory_space<hbm>>
      tpu.enqueue_dma source(%arg12 : memref<2x72x64xf32, #tpu.memory_space<vmem>>) target(%dma_start3A_177 : memref<2x72x64xf32, #tpu.memory_space<hbm>>) target_semaphore(%arg16 : memref<!tpu.dma_semaphore, #tpu.memory_space<semaphore_mem>>)
      %add3A_178 = arith.constant 2 : i32
      %add3A_179 = arith.addi %add3A_74, %add3A_178 : i32
      %lt3A_180 = arith.constant 128 : i32
      %lt3A_181 = arith.cmpi slt, %add3A_179, %lt3A_180 : i32
      %convert_element_type3A_182 = arith.extui %lt3A_181 : i1 to i32
      %cond3A_183 = arith.constant 0 : i32
      %cond3A_184 = arith.cmpi ne, %convert_element_type3A_182, %cond3A_183 : i32
      scf.if %cond3A_184 {
        %add3A_192 = arith.constant 2 : i32
        %add3A_193 = arith.addi %add3A_74, %add3A_192 : i32
        %jit3A_194 = arith.constant 2 : i32
        %div3A_195 = arith.divsi %add3A_193, %jit3A_194 : i32
        %sign3A_196 = arith.constant 0 : i32
        %sign3A_197 = arith.cmpi sgt, %add3A_193, %sign3A_196 : i32
        %sign3A_198 = arith.extui %sign3A_197 : i1 to i32
        %sign3A_199 = arith.constant 0 : i32
        %sign3A_200 = arith.cmpi slt, %add3A_193, %sign3A_199 : i32
        %sign3A_201 = arith.extui %sign3A_200 : i1 to i32
        %sign3A_202 = arith.subi %sign3A_198, %sign3A_201 : i32
        %sign3A_203 = arith.constant 0 : i32
        %sign3A_204 = arith.cmpi sgt, %jit3A_194, %sign3A_203 : i32
        %sign3A_205 = arith.extui %sign3A_204 : i1 to i32
        %sign3A_206 = arith.constant 0 : i32
        %sign3A_207 = arith.cmpi slt, %jit3A_194, %sign3A_206 : i32
        %sign3A_208 = arith.extui %sign3A_207 : i1 to i32
        %sign3A_209 = arith.subi %sign3A_205, %sign3A_208 : i32
        %ne3A_210 = arith.cmpi ne, %sign3A_202, %sign3A_209 : i32
        %rem3A_211 = arith.remsi %add3A_193, %jit3A_194 : i32
        %ne3A_212 = arith.constant 0 : i32
        %ne3A_213 = arith.cmpi ne, %rem3A_211, %ne3A_212 : i32
        %and3A_214 = arith.andi %ne3A_210, %ne3A_213 : i1
        %sub3A_215 = arith.constant 1 : i32
        %sub3A_216 = arith.subi %div3A_195, %sub3A_215 : i32
        %select_n3A_217 = arith.select %and3A_214, %sub3A_216, %div3A_195 : i32
        %rem3A_218 = arith.constant 2 : i32
        %rem3A_219 = arith.remsi %add3A_193, %rem3A_218 : i32
        %mul3A_220 = arith.constant 2 : i32
        %mul3A_221 = arith.muli %rem3A_219, %mul3A_220 : i32
        %add3A_222 = arith.addi %mul3A_22, %mul3A_221 : i32
        %mul3A_223 = arith.constant 576 : i32
        %mul3A_224 = arith.muli %select_n3A_217, %mul3A_223 : i32
        %add3A_225 = arith.addi %mul3A_224, %multiple_of3A : i32
        %multiple_of3A_226 = tpu.assume_multiple %add3A_225, 8 : i32
        "tpu.region"() ({
          %run_scoped3A = tpu.sem_alloc : memref<!tpu.dma_semaphore, #tpu.memory_space<semaphore_mem>>
          %dma_start3A_236 = tpu.memref_slice %arg2[%multiple_of3A_226] : memref<36864xi32, #tpu.memory_space<hbm>> -> memref<72xi32, #tpu.memory_space<hbm>>
          %dma_start3A_237 = tpu.memref_slice %arg2[%multiple_of3A_226] : memref<36864xi32, #tpu.memory_space<hbm>> -> memref<72xi32, #tpu.memory_space<hbm>>
          tpu.enqueue_dma source(%dma_start3A_237 : memref<72xi32, #tpu.memory_space<hbm>>) target(%arg6 : memref<72xi32, #tpu.memory_space<vmem>>) target_semaphore(%run_scoped3A : memref<!tpu.dma_semaphore, #tpu.memory_space<semaphore_mem>>)
          %dma_wait3A_238 = tpu.memref_slice %arg2[%multiple_of3A_226] : memref<36864xi32, #tpu.memory_space<hbm>> -> memref<72xi32, #tpu.memory_space<hbm>>
          %dma_wait3A_239 = tpu.memref_slice %arg2[%multiple_of3A_226] : memref<36864xi32, #tpu.memory_space<hbm>> -> memref<72xi32, #tpu.memory_space<hbm>>
          tpu.wait_dma2 semaphore(%run_scoped3A : memref<!tpu.dma_semaphore, #tpu.memory_space<semaphore_mem>>) src(%dma_wait3A_239 : memref<72xi32, #tpu.memory_space<hbm>>) dst(%arg6 : memref<72xi32, #tpu.memory_space<vmem>>)
          tpu.yield
        }) : () -> ()
        %dma_start3A_227 = arith.constant 0 : i32
        %dma_start3A_228 = arith.constant 0 : i32
        %dma_start3A_229 = tpu.memref_slice %arg3[%dma_start3A_227, %dma_start3A_228] : memref<576x128xf32, #tpu.memory_space<hbm>> -> memref<576x128xf32, #tpu.memory_space<hbm>>
        tpu.enqueue_indirect_dma source(%dma_start3A_229 : memref<576x128xf32, #tpu.memory_space<hbm>>) target(%arg8 : memref<72x128xf32, #tpu.memory_space<vmem>>) offsets(%arg6 : memref<72xi32, #tpu.memory_space<vmem>>) semaphore(%arg14 : memref<!tpu.dma_semaphore, #tpu.memory_space<semaphore_mem>>)
        %dma_start3A_230 = arith.constant 0 : i32
        %dma_start3A_231 = tpu.memref_slice %arg4[%select_n3A_217, %add3A_222, %multiple_of3A, %dma_start3A_230] : memref<64x16x576x64xf32, #tpu.memory_space<hbm>> -> memref<1x2x72x64xf32, #tpu.memory_space<hbm>>
        %dma_start3A_232 = tpu.memref_squeeze %dma_start3A_231 : memref<1x2x72x64xf32, #tpu.memory_space<hbm>> -> memref<2x72x64xf32, #tpu.memory_space<hbm>>
        %dma_start3A_233 = arith.constant 0 : i32
        %dma_start3A_234 = tpu.memref_slice %arg4[%select_n3A_217, %add3A_222, %multiple_of3A, %dma_start3A_233] : memref<64x16x576x64xf32, #tpu.memory_space<hbm>> -> memref<1x2x72x64xf32, #tpu.memory_space<hbm>>
        %dma_start3A_235 = tpu.memref_squeeze %dma_start3A_234 : memref<1x2x72x64xf32, #tpu.memory_space<hbm>> -> memref<2x72x64xf32, #tpu.memory_space<hbm>>
        tpu.enqueue_dma source(%dma_start3A_235 : memref<2x72x64xf32, #tpu.memory_space<hbm>>) target(%arg10 : memref<2x72x64xf32, #tpu.memory_space<vmem>>) target_semaphore(%arg14 : memref<!tpu.dma_semaphore, #tpu.memory_space<semaphore_mem>>)
      } else {
      }
      %add3A_185 = arith.constant 1 : i32
      %add3A_186 = arith.addi %add3A_74, %add3A_185 : i32
      %lt3A_187 = arith.constant 128 : i32
      %lt3A_188 = arith.cmpi slt, %add3A_186, %lt3A_187 : i32
      %convert_element_type3A_189 = arith.extui %lt3A_188 : i1 to i32
      %cond3A_190 = arith.constant 0 : i32
      %cond3A_191 = arith.cmpi ne, %convert_element_type3A_189, %cond3A_190 : i32
      scf.if %cond3A_191 {
        %add3A_192 = arith.constant 1 : i32
        %add3A_193 = arith.addi %add3A_74, %add3A_192 : i32
        %jit3A_194 = arith.constant 2 : i32
        %div3A_195 = arith.divsi %add3A_193, %jit3A_194 : i32
        %sign3A_196 = arith.constant 0 : i32
        %sign3A_197 = arith.cmpi sgt, %add3A_193, %sign3A_196 : i32
        %sign3A_198 = arith.extui %sign3A_197 : i1 to i32
        %sign3A_199 = arith.constant 0 : i32
        %sign3A_200 = arith.cmpi slt, %add3A_193, %sign3A_199 : i32
        %sign3A_201 = arith.extui %sign3A_200 : i1 to i32
        %sign3A_202 = arith.subi %sign3A_198, %sign3A_201 : i32
        %sign3A_203 = arith.constant 0 : i32
        %sign3A_204 = arith.cmpi sgt, %jit3A_194, %sign3A_203 : i32
        %sign3A_205 = arith.extui %sign3A_204 : i1 to i32
        %sign3A_206 = arith.constant 0 : i32
        %sign3A_207 = arith.cmpi slt, %jit3A_194, %sign3A_206 : i32
        %sign3A_208 = arith.extui %sign3A_207 : i1 to i32
        %sign3A_209 = arith.subi %sign3A_205, %sign3A_208 : i32
        %ne3A_210 = arith.cmpi ne, %sign3A_202, %sign3A_209 : i32
        %rem3A_211 = arith.remsi %add3A_193, %jit3A_194 : i32
        %ne3A_212 = arith.constant 0 : i32
        %ne3A_213 = arith.cmpi ne, %rem3A_211, %ne3A_212 : i32
        %and3A_214 = arith.andi %ne3A_210, %ne3A_213 : i1
        %sub3A_215 = arith.constant 1 : i32
        %sub3A_216 = arith.subi %div3A_195, %sub3A_215 : i32
        %select_n3A_217 = arith.select %and3A_214, %sub3A_216, %div3A_195 : i32
        %rem3A_218 = arith.constant 2 : i32
        %rem3A_219 = arith.remsi %add3A_193, %rem3A_218 : i32
        %mul3A_220 = arith.constant 2 : i32
        %mul3A_221 = arith.muli %rem3A_219, %mul3A_220 : i32
        %add3A_222 = arith.addi %mul3A_22, %mul3A_221 : i32
        %dma_wait3A_223 = arith.constant 0 : i32
        %dma_wait3A_224 = arith.constant 0 : i32
        %dma_wait3A_225 = tpu.memref_slice %arg3[%dma_wait3A_223, %dma_wait3A_224] : memref<576x128xf32, #tpu.memory_space<hbm>> -> memref<576x128xf32, #tpu.memory_space<hbm>>
        tpu.wait_indirect_dma semaphore(%arg15 : memref<!tpu.dma_semaphore, #tpu.memory_space<semaphore_mem>>) src(%dma_wait3A_225 : memref<576x128xf32, #tpu.memory_space<hbm>>) dst(%arg9 : memref<72x128xf32, #tpu.memory_space<vmem>>)
        %dma_wait3A_226 = arith.constant 0 : i32
        %dma_wait3A_227 = tpu.memref_slice %arg4[%select_n3A_217, %add3A_222, %multiple_of3A, %dma_wait3A_226] : memref<64x16x576x64xf32, #tpu.memory_space<hbm>> -> memref<1x2x72x64xf32, #tpu.memory_space<hbm>>
        %dma_wait3A_228 = tpu.memref_squeeze %dma_wait3A_227 : memref<1x2x72x64xf32, #tpu.memory_space<hbm>> -> memref<2x72x64xf32, #tpu.memory_space<hbm>>
        %dma_wait3A_229 = arith.constant 0 : i32
        %dma_wait3A_230 = tpu.memref_slice %arg4[%select_n3A_217, %add3A_222, %multiple_of3A, %dma_wait3A_229] : memref<64x16x576x64xf32, #tpu.memory_space<hbm>> -> memref<1x2x72x64xf32, #tpu.memory_space<hbm>>
        %dma_wait3A_231 = tpu.memref_squeeze %dma_wait3A_230 : memref<1x2x72x64xf32, #tpu.memory_space<hbm>> -> memref<2x72x64xf32, #tpu.memory_space<hbm>>
        tpu.wait_dma2 semaphore(%arg15 : memref<!tpu.dma_semaphore, #tpu.memory_space<semaphore_mem>>) src(%dma_wait3A_231 : memref<2x72x64xf32, #tpu.memory_space<hbm>>) dst(%arg11 : memref<2x72x64xf32, #tpu.memory_space<vmem>>)
        %ge3A_232 = arith.constant 1 : i32
        %ge3A_233 = arith.cmpi sge, %add3A_74, %ge3A_232 : i32
        %convert_element_type3A_234 = arith.extui %ge3A_233 : i1 to i32
        %cond3A_235 = arith.constant 0 : i32
        %cond3A_236 = arith.cmpi ne, %convert_element_type3A_234, %cond3A_235 : i32
        scf.if %cond3A_236 {
          %sub3A_297 = arith.constant 1 : i32
          %sub3A_298 = arith.subi %add3A_74, %sub3A_297 : i32
          %jit3A_299 = arith.constant 2 : i32
          %div3A_300 = arith.divsi %sub3A_298, %jit3A_299 : i32
          %sign3A_301 = arith.constant 0 : i32
          %sign3A_302 = arith.cmpi sgt, %sub3A_298, %sign3A_301 : i32
          %sign3A_303 = arith.extui %sign3A_302 : i1 to i32
          %sign3A_304 = arith.constant 0 : i32
          %sign3A_305 = arith.cmpi slt, %sub3A_298, %sign3A_304 : i32
          %sign3A_306 = arith.extui %sign3A_305 : i1 to i32
          %sign3A_307 = arith.subi %sign3A_303, %sign3A_306 : i32
          %sign3A_308 = arith.constant 0 : i32
          %sign3A_309 = arith.cmpi sgt, %jit3A_299, %sign3A_308 : i32
          %sign3A_310 = arith.extui %sign3A_309 : i1 to i32
          %sign3A_311 = arith.constant 0 : i32
          %sign3A_312 = arith.cmpi slt, %jit3A_299, %sign3A_311 : i32
          %sign3A_313 = arith.extui %sign3A_312 : i1 to i32
          %sign3A_314 = arith.subi %sign3A_310, %sign3A_313 : i32
          %ne3A_315 = arith.cmpi ne, %sign3A_307, %sign3A_314 : i32
          %rem3A_316 = arith.remsi %sub3A_298, %jit3A_299 : i32
          %ne3A_317 = arith.constant 0 : i32
          %ne3A_318 = arith.cmpi ne, %rem3A_316, %ne3A_317 : i32
          %and3A_319 = arith.andi %ne3A_315, %ne3A_318 : i1
          %sub3A_320 = arith.constant 1 : i32
          %sub3A_321 = arith.subi %div3A_300, %sub3A_320 : i32
          %select_n3A_322 = arith.select %and3A_319, %sub3A_321, %div3A_300 : i32
          %rem3A_323 = arith.constant 2 : i32
          %rem3A_324 = arith.remsi %sub3A_298, %rem3A_323 : i32
          %mul3A_325 = arith.constant 2 : i32
          %mul3A_326 = arith.muli %rem3A_324, %mul3A_325 : i32
          %add3A_327 = arith.addi %mul3A_22, %mul3A_326 : i32
          %dma_wait3A_328 = arith.constant 0 : i32
          %dma_wait3A_329 = tpu.memref_slice %arg5[%select_n3A_322, %add3A_327, %multiple_of3A, %dma_wait3A_328] : memref<64x16x576x64xf32, #tpu.memory_space<hbm>> -> memref<1x2x72x64xf32, #tpu.memory_space<hbm>>
          %dma_wait3A_330 = tpu.memref_squeeze %dma_wait3A_329 : memref<1x2x72x64xf32, #tpu.memory_space<hbm>> -> memref<2x72x64xf32, #tpu.memory_space<hbm>>
          %dma_wait3A_331 = arith.constant 0 : i32
          %dma_wait3A_332 = tpu.memref_slice %arg5[%select_n3A_322, %add3A_327, %multiple_of3A, %dma_wait3A_331] : memref<64x16x576x64xf32, #tpu.memory_space<hbm>> -> memref<1x2x72x64xf32, #tpu.memory_space<hbm>>
          %dma_wait3A_333 = tpu.memref_squeeze %dma_wait3A_332 : memref<1x2x72x64xf32, #tpu.memory_space<hbm>> -> memref<2x72x64xf32, #tpu.memory_space<hbm>>
          tpu.wait_dma2 semaphore(%arg17 : memref<!tpu.dma_semaphore, #tpu.memory_space<semaphore_mem>>) src(%arg13 : memref<2x72x64xf32, #tpu.memory_space<vmem>>) dst(%dma_wait3A_333 : memref<2x72x64xf32, #tpu.memory_space<hbm>>)
        } else {
        }
        %iota3A_237 = tpu.iota {dimensions = array<i32: 0>} : vector<16xi32>
        %rem3A_238 = arith.constant 2 : i32
        %rem3A_239 = vector.broadcast %rem3A_238 : i32 to vector<16xi32>
        %rem3A_240 = arith.remsi %iota3A_237, %rem3A_239 : vector<16xi32>
        %add3A_241 = arith.constant 1 : i32
        %add3A_242 = vector.broadcast %add3A_241 : i32 to vector<16xi32>
        %add3A_243 = arith.addi %iota3A_237, %add3A_242 : vector<16xi32>
        %mul3A_244 = arith.constant 2 : i32
        %mul3A_245 = vector.broadcast %mul3A_244 : i32 to vector<16xi32>
        %mul3A_246 = arith.muli %mul3A_245, %rem3A_240 : vector<16xi32>
        %sub3A_247 = arith.subi %add3A_243, %mul3A_246 : vector<16xi32>
        %mul3A_248 = arith.constant 2 : i32
        %mul3A_249 = vector.broadcast %mul3A_248 : i32 to vector<16xi32>
        %mul3A_250 = arith.muli %mul3A_249, %rem3A_240 : vector<16xi32>
        %sub3A_251 = arith.constant 1 : i32
        %sub3A_252 = vector.broadcast %sub3A_251 : i32 to vector<16xi32>
        %sub3A_253 = arith.subi %mul3A_250, %sub3A_252 : vector<16xi32>
        %convert_element_type3A_254 = arith.sitofp %sub3A_253 : vector<16xi32> to vector<16xf32>
        %scan3A_255 = arith.constant 0 : i32
        %scan3A_256 = arith.constant 72 : i32
        %scan3A_257 = arith.addi %scan3A_255, %scan3A_256 : i32
        %scan3A_258 = arith.constant 1 : i32
        scf.for %scan3A_297 = %scan3A_255 to %scan3A_257 step %scan3A_258  : i32 {
          %mul3A_298 = arith.constant 1 : i32
          %mul3A_299 = arith.muli %scan3A_297, %mul3A_298 : i32
          %add3A_300 = arith.constant 0 : i32
          %add3A_301 = arith.addi %add3A_300, %mul3A_299 : i32
          %get3A = arith.index_cast %add3A_301 : i32 to index
          %get3A_302 = arith.constant 0 : index
          %get3A_303 = tpu.vector_load %arg9[%get3A, %get3A_302] {strides = array<i32>} : memref<72x128xf32, #tpu.memory_space<vmem>>, vector<1x16xf32>,
          %get3A_304 = vector.shape_cast %get3A_303 : vector<1x16xf32> to vector<16xf32>
          %get3A_305 = arith.index_cast %add3A_301 : i32 to index
          %get3A_306 = arith.constant 64 : index
          %get3A_307 = tpu.vector_load %arg9[%get3A_305, %get3A_306] {strides = array<i32>} : memref<72x128xf32, #tpu.memory_space<vmem>>, vector<1x16xf32>,
          %get3A_308 = vector.shape_cast %get3A_307 : vector<1x16xf32> to vector<16xf32>
          %mul3A_309 = arith.mulf %get3A_308, %convert_element_type3A_254 : vector<16xf32>
          %get3A_310 = arith.constant 0 : i32
          %get3A_311 = arith.index_cast %get3A_310 : i32 to index
          %get3A_312 = arith.index_cast %add3A_301 : i32 to index
          %get3A_313 = arith.constant 0 : index
          %get3A_314 = tpu.vector_load %arg11[%get3A_311, %get3A_312, %get3A_313] {strides = array<i32>} : memref<2x72x64xf32, #tpu.memory_space<vmem>>, vector<1x1x16xf32>,
          %get3A_315 = vector.shape_cast %get3A_314 : vector<1x1x16xf32> to vector<16xf32>
          %broadcast_in_dim3A = vector.shape_cast %sub3A_247 : vector<16xi32> to vector<16x1xi32>
          %gather3A = vector.shape_cast %broadcast_in_dim3A : vector<16x1xi32> to vector<16xi32>
          %gather3A_316 = tpu.dynamic_gather %get3A_315[%gather3A] in [0] : vector<16xf32>, vector<16xi32> -> vector<16xf32>
          %mul3A_317 = arith.mulf %get3A_315, %get3A_304 : vector<16xf32>
          %mul3A_318 = arith.mulf %gather3A_316, %mul3A_309 : vector<16xf32>
          %add3A_319 = arith.addf %mul3A_317, %mul3A_318 : vector<16xf32>
          %swap3A = arith.constant 0 : i32
          %swap3A_320 = arith.index_cast %swap3A : i32 to index
          %swap3A_321 = arith.index_cast %add3A_301 : i32 to index
          %swap3A_322 = arith.constant 0 : index
          %swap3A_323 = tpu.vector_load %arg13[%swap3A_320, %swap3A_321, %swap3A_322] {strides = array<i32>} : memref<2x72x64xf32, #tpu.memory_space<vmem>>, vector<1x1x16xf32>,
          %swap3A_324 = vector.shape_cast %swap3A_323 : vector<1x1x16xf32> to vector<16xf32>
          %swap3A_325 = vector.shape_cast %add3A_319 : vector<16xf32> to vector<1x1x16xf32>
          tpu.vector_store %arg13[%swap3A_320, %swap3A_321, %swap3A_322], %swap3A_325 {strides = array<i32>} : memref<2x72x64xf32, #tpu.memory_space<vmem>>, vector<1x1x16xf32>,
          %get3A_326 = arith.constant 1 : i32
          %get3A_327 = arith.index_cast %get3A_326 : i32 to index
          %get3A_328 = arith.index_cast %add3A_301 : i32 to index
          %get3A_329 = arith.constant 0 : index
          %get3A_330 = tpu.vector_load %arg11[%get3A_327, %get3A_328, %get3A_329] {strides = array<i32>} : memref<2x72x64xf32, #tpu.memory_space<vmem>>, vector<1x1x16xf32>,
          %get3A_331 = vector.shape_cast %get3A_330 : vector<1x1x16xf32> to vector<16xf32>
          %broadcast_in_dim3A_332 = vector.shape_cast %sub3A_247 : vector<16xi32> to vector<16x1xi32>
          %gather3A_333 = vector.shape_cast %broadcast_in_dim3A_332 : vector<16x1xi32> to vector<16xi32>
          %gather3A_334 = tpu.dynamic_gather %get3A_331[%gather3A_333] in [0] : vector<16xf32>, vector<16xi32> -> vector<16xf32>
          %mul3A_335 = arith.mulf %get3A_331, %get3A_304 : vector<16xf32>
          %mul3A_336 = arith.mulf %gather3A_334, %mul3A_309 : vector<16xf32>
          %add3A_337 = arith.addf %mul3A_335, %mul3A_336 : vector<16xf32>
          %swap3A_338 = arith.constant 1 : i32
          %swap3A_339 = arith.index_cast %swap3A_338 : i32 to index
          %swap3A_340 = arith.index_cast %add3A_301 : i32 to index
          %swap3A_341 = arith.constant 0 : index
          %swap3A_342 = tpu.vector_load %arg13[%swap3A_339, %swap3A_340, %swap3A_341] {strides = array<i32>} : memref<2x72x64xf32, #tpu.memory_space<vmem>>, vector<1x1x16xf32>,
          %swap3A_343 = vector.shape_cast %swap3A_342 : vector<1x1x16xf32> to vector<16xf32>
          %swap3A_344 = vector.shape_cast %add3A_337 : vector<16xf32> to vector<1x1x16xf32>
          tpu.vector_store %arg13[%swap3A_339, %swap3A_340, %swap3A_341], %swap3A_344 {strides = array<i32>} : memref<2x72x64xf32, #tpu.memory_space<vmem>>, vector<1x1x16xf32>,
          %get3A_345 = arith.index_cast %add3A_301 : i32 to index
          %get3A_346 = arith.constant 16 : index
          %get3A_347 = tpu.vector_load %arg9[%get3A_345, %get3A_346] {strides = array<i32>} : memref<72x128xf32, #tpu.memory_space<vmem>>, vector<1x16xf32>,
          %get3A_348 = vector.shape_cast %get3A_347 : vector<1x16xf32> to vector<16xf32>
          %get3A_349 = arith.index_cast %add3A_301 : i32 to index
          %get3A_350 = arith.constant 80 : index
          %get3A_351 = tpu.vector_load %arg9[%get3A_349, %get3A_350] {strides = array<i32>} : memref<72x128xf32, #tpu.memory_space<vmem>>, vector<1x16xf32>,
          %get3A_352 = vector.shape_cast %get3A_351 : vector<1x16xf32> to vector<16xf32>
          %mul3A_353 = arith.mulf %get3A_352, %convert_element_type3A_254 : vector<16xf32>
          %get3A_354 = arith.constant 0 : i32
          %get3A_355 = arith.index_cast %get3A_354 : i32 to index
          %get3A_356 = arith.index_cast %add3A_301 : i32 to index
          %get3A_357 = arith.constant 16 : index
          %get3A_358 = tpu.vector_load %arg11[%get3A_355, %get3A_356, %get3A_357] {strides = array<i32>} : memref<2x72x64xf32, #tpu.memory_space<vmem>>, vector<1x1x16xf32>,
          %get3A_359 = vector.shape_cast %get3A_358 : vector<1x1x16xf32> to vector<16xf32>
          %broadcast_in_dim3A_360 = vector.shape_cast %sub3A_247 : vector<16xi32> to vector<16x1xi32>
          %gather3A_361 = vector.shape_cast %broadcast_in_dim3A_360 : vector<16x1xi32> to vector<16xi32>
          %gather3A_362 = tpu.dynamic_gather %get3A_359[%gather3A_361] in [0] : vector<16xf32>, vector<16xi32> -> vector<16xf32>
          %mul3A_363 = arith.mulf %get3A_359, %get3A_348 : vector<16xf32>
          %mul3A_364 = arith.mulf %gather3A_362, %mul3A_353 : vector<16xf32>
          %add3A_365 = arith.addf %mul3A_363, %mul3A_364 : vector<16xf32>
          %swap3A_366 = arith.constant 0 : i32
          %swap3A_367 = arith.index_cast %swap3A_366 : i32 to index
          %swap3A_368 = arith.index_cast %add3A_301 : i32 to index
          %swap3A_369 = arith.constant 16 : index
          %swap3A_370 = tpu.vector_load %arg13[%swap3A_367, %swap3A_368, %swap3A_369] {strides = array<i32>} : memref<2x72x64xf32, #tpu.memory_space<vmem>>, vector<1x1x16xf32>,
          %swap3A_371 = vector.shape_cast %swap3A_370 : vector<1x1x16xf32> to vector<16xf32>
          %swap3A_372 = vector.shape_cast %add3A_365 : vector<16xf32> to vector<1x1x16xf32>
          tpu.vector_store %arg13[%swap3A_367, %swap3A_368, %swap3A_369], %swap3A_372 {strides = array<i32>} : memref<2x72x64xf32, #tpu.memory_space<vmem>>, vector<1x1x16xf32>,
          %get3A_373 = arith.constant 1 : i32
          %get3A_374 = arith.index_cast %get3A_373 : i32 to index
          %get3A_375 = arith.index_cast %add3A_301 : i32 to index
          %get3A_376 = arith.constant 16 : index
          %get3A_377 = tpu.vector_load %arg11[%get3A_374, %get3A_375, %get3A_376] {strides = array<i32>} : memref<2x72x64xf32, #tpu.memory_space<vmem>>, vector<1x1x16xf32>,
          %get3A_378 = vector.shape_cast %get3A_377 : vector<1x1x16xf32> to vector<16xf32>
          %broadcast_in_dim3A_379 = vector.shape_cast %sub3A_247 : vector<16xi32> to vector<16x1xi32>
          %gather3A_380 = vector.shape_cast %broadcast_in_dim3A_379 : vector<16x1xi32> to vector<16xi32>
          %gather3A_381 = tpu.dynamic_gather %get3A_378[%gather3A_380] in [0] : vector<16xf32>, vector<16xi32> -> vector<16xf32>
          %mul3A_382 = arith.mulf %get3A_378, %get3A_348 : vector<16xf32>
          %mul3A_383 = arith.mulf %gather3A_381, %mul3A_353 : vector<16xf32>
          %add3A_384 = arith.addf %mul3A_382, %mul3A_383 : vector<16xf32>
          %swap3A_385 = arith.constant 1 : i32
          %swap3A_386 = arith.index_cast %swap3A_385 : i32 to index
          %swap3A_387 = arith.index_cast %add3A_301 : i32 to index
          %swap3A_388 = arith.constant 16 : index
          %swap3A_389 = tpu.vector_load %arg13[%swap3A_386, %swap3A_387, %swap3A_388] {strides = array<i32>} : memref<2x72x64xf32, #tpu.memory_space<vmem>>, vector<1x1x16xf32>,
          %swap3A_390 = vector.shape_cast %swap3A_389 : vector<1x1x16xf32> to vector<16xf32>
          %swap3A_391 = vector.shape_cast %add3A_384 : vector<16xf32> to vector<1x1x16xf32>
          tpu.vector_store %arg13[%swap3A_386, %swap3A_387, %swap3A_388], %swap3A_391 {strides = array<i32>} : memref<2x72x64xf32, #tpu.memory_space<vmem>>, vector<1x1x16xf32>,
          %get3A_392 = arith.index_cast %add3A_301 : i32 to index
          %get3A_393 = arith.constant 32 : index
          %get3A_394 = tpu.vector_load %arg9[%get3A_392, %get3A_393] {strides = array<i32>} : memref<72x128xf32, #tpu.memory_space<vmem>>, vector<1x16xf32>,
          %get3A_395 = vector.shape_cast %get3A_394 : vector<1x16xf32> to vector<16xf32>
          %get3A_396 = arith.index_cast %add3A_301 : i32 to index
          %get3A_397 = arith.constant 96 : index
          %get3A_398 = tpu.vector_load %arg9[%get3A_396, %get3A_397] {strides = array<i32>} : memref<72x128xf32, #tpu.memory_space<vmem>>, vector<1x16xf32>,
          %get3A_399 = vector.shape_cast %get3A_398 : vector<1x16xf32> to vector<16xf32>
          %mul3A_400 = arith.mulf %get3A_399, %convert_element_type3A_254 : vector<16xf32>
          %get3A_401 = arith.constant 0 : i32
          %get3A_402 = arith.index_cast %get3A_401 : i32 to index
          %get3A_403 = arith.index_cast %add3A_301 : i32 to index
          %get3A_404 = arith.constant 32 : index
          %get3A_405 = tpu.vector_load %arg11[%get3A_402, %get3A_403, %get3A_404] {strides = array<i32>} : memref<2x72x64xf32, #tpu.memory_space<vmem>>, vector<1x1x16xf32>,
          %get3A_406 = vector.shape_cast %get3A_405 : vector<1x1x16xf32> to vector<16xf32>
          %broadcast_in_dim3A_407 = vector.shape_cast %sub3A_247 : vector<16xi32> to vector<16x1xi32>
          %gather3A_408 = vector.shape_cast %broadcast_in_dim3A_407 : vector<16x1xi32> to vector<16xi32>
          %gather3A_409 = tpu.dynamic_gather %get3A_406[%gather3A_408] in [0] : vector<16xf32>, vector<16xi32> -> vector<16xf32>
          %mul3A_410 = arith.mulf %get3A_406, %get3A_395 : vector<16xf32>
          %mul3A_411 = arith.mulf %gather3A_409, %mul3A_400 : vector<16xf32>
          %add3A_412 = arith.addf %mul3A_410, %mul3A_411 : vector<16xf32>
          %swap3A_413 = arith.constant 0 : i32
          %swap3A_414 = arith.index_cast %swap3A_413 : i32 to index
          %swap3A_415 = arith.index_cast %add3A_301 : i32 to index
          %swap3A_416 = arith.constant 32 : index
          %swap3A_417 = tpu.vector_load %arg13[%swap3A_414, %swap3A_415, %swap3A_416] {strides = array<i32>} : memref<2x72x64xf32, #tpu.memory_space<vmem>>, vector<1x1x16xf32>,
          %swap3A_418 = vector.shape_cast %swap3A_417 : vector<1x1x16xf32> to vector<16xf32>
          %swap3A_419 = vector.shape_cast %add3A_412 : vector<16xf32> to vector<1x1x16xf32>
          tpu.vector_store %arg13[%swap3A_414, %swap3A_415, %swap3A_416], %swap3A_419 {strides = array<i32>} : memref<2x72x64xf32, #tpu.memory_space<vmem>>, vector<1x1x16xf32>,
          %get3A_420 = arith.constant 1 : i32
          %get3A_421 = arith.index_cast %get3A_420 : i32 to index
          %get3A_422 = arith.index_cast %add3A_301 : i32 to index
          %get3A_423 = arith.constant 32 : index
          %get3A_424 = tpu.vector_load %arg11[%get3A_421, %get3A_422, %get3A_423] {strides = array<i32>} : memref<2x72x64xf32, #tpu.memory_space<vmem>>, vector<1x1x16xf32>,
          %get3A_425 = vector.shape_cast %get3A_424 : vector<1x1x16xf32> to vector<16xf32>
          %broadcast_in_dim3A_426 = vector.shape_cast %sub3A_247 : vector<16xi32> to vector<16x1xi32>
          %gather3A_427 = vector.shape_cast %broadcast_in_dim3A_426 : vector<16x1xi32> to vector<16xi32>
          %gather3A_428 = tpu.dynamic_gather %get3A_425[%gather3A_427] in [0] : vector<16xf32>, vector<16xi32> -> vector<16xf32>
          %mul3A_429 = arith.mulf %get3A_425, %get3A_395 : vector<16xf32>
          %mul3A_430 = arith.mulf %gather3A_428, %mul3A_400 : vector<16xf32>
          %add3A_431 = arith.addf %mul3A_429, %mul3A_430 : vector<16xf32>
          %swap3A_432 = arith.constant 1 : i32
          %swap3A_433 = arith.index_cast %swap3A_432 : i32 to index
          %swap3A_434 = arith.index_cast %add3A_301 : i32 to index
          %swap3A_435 = arith.constant 32 : index
          %swap3A_436 = tpu.vector_load %arg13[%swap3A_433, %swap3A_434, %swap3A_435] {strides = array<i32>} : memref<2x72x64xf32, #tpu.memory_space<vmem>>, vector<1x1x16xf32>,
          %swap3A_437 = vector.shape_cast %swap3A_436 : vector<1x1x16xf32> to vector<16xf32>
          %swap3A_438 = vector.shape_cast %add3A_431 : vector<16xf32> to vector<1x1x16xf32>
          tpu.vector_store %arg13[%swap3A_433, %swap3A_434, %swap3A_435], %swap3A_438 {strides = array<i32>} : memref<2x72x64xf32, #tpu.memory_space<vmem>>, vector<1x1x16xf32>,
          %get3A_439 = arith.index_cast %add3A_301 : i32 to index
          %get3A_440 = arith.constant 48 : index
          %get3A_441 = tpu.vector_load %arg9[%get3A_439, %get3A_440] {strides = array<i32>} : memref<72x128xf32, #tpu.memory_space<vmem>>, vector<1x16xf32>,
          %get3A_442 = vector.shape_cast %get3A_441 : vector<1x16xf32> to vector<16xf32>
          %get3A_443 = arith.index_cast %add3A_301 : i32 to index
          %get3A_444 = arith.constant 112 : index
          %get3A_445 = tpu.vector_load %arg9[%get3A_443, %get3A_444] {strides = array<i32>} : memref<72x128xf32, #tpu.memory_space<vmem>>, vector<1x16xf32>,
          %get3A_446 = vector.shape_cast %get3A_445 : vector<1x16xf32> to vector<16xf32>
          %mul3A_447 = arith.mulf %get3A_446, %convert_element_type3A_254 : vector<16xf32>
          %get3A_448 = arith.constant 0 : i32
          %get3A_449 = arith.index_cast %get3A_448 : i32 to index
          %get3A_450 = arith.index_cast %add3A_301 : i32 to index
          %get3A_451 = arith.constant 48 : index
          %get3A_452 = tpu.vector_load %arg11[%get3A_449, %get3A_450, %get3A_451] {strides = array<i32>} : memref<2x72x64xf32, #tpu.memory_space<vmem>>, vector<1x1x16xf32>,
          %get3A_453 = vector.shape_cast %get3A_452 : vector<1x1x16xf32> to vector<16xf32>
          %broadcast_in_dim3A_454 = vector.shape_cast %sub3A_247 : vector<16xi32> to vector<16x1xi32>
          %gather3A_455 = vector.shape_cast %broadcast_in_dim3A_454 : vector<16x1xi32> to vector<16xi32>
          %gather3A_456 = tpu.dynamic_gather %get3A_453[%gather3A_455] in [0] : vector<16xf32>, vector<16xi32> -> vector<16xf32>
          %mul3A_457 = arith.mulf %get3A_453, %get3A_442 : vector<16xf32>
          %mul3A_458 = arith.mulf %gather3A_456, %mul3A_447 : vector<16xf32>
          %add3A_459 = arith.addf %mul3A_457, %mul3A_458 : vector<16xf32>
          %swap3A_460 = arith.constant 0 : i32
          %swap3A_461 = arith.index_cast %swap3A_460 : i32 to index
          %swap3A_462 = arith.index_cast %add3A_301 : i32 to index
          %swap3A_463 = arith.constant 48 : index
          %swap3A_464 = tpu.vector_load %arg13[%swap3A_461, %swap3A_462, %swap3A_463] {strides = array<i32>} : memref<2x72x64xf32, #tpu.memory_space<vmem>>, vector<1x1x16xf32>,
          %swap3A_465 = vector.shape_cast %swap3A_464 : vector<1x1x16xf32> to vector<16xf32>
          %swap3A_466 = vector.shape_cast %add3A_459 : vector<16xf32> to vector<1x1x16xf32>
          tpu.vector_store %arg13[%swap3A_461, %swap3A_462, %swap3A_463], %swap3A_466 {strides = array<i32>} : memref<2x72x64xf32, #tpu.memory_space<vmem>>, vector<1x1x16xf32>,
          %get3A_467 = arith.constant 1 : i32
          %get3A_468 = arith.index_cast %get3A_467 : i32 to index
          %get3A_469 = arith.index_cast %add3A_301 : i32 to index
          %get3A_470 = arith.constant 48 : index
          %get3A_471 = tpu.vector_load %arg11[%get3A_468, %get3A_469, %get3A_470] {strides = array<i32>} : memref<2x72x64xf32, #tpu.memory_space<vmem>>, vector<1x1x16xf32>,
          %get3A_472 = vector.shape_cast %get3A_471 : vector<1x1x16xf32> to vector<16xf32>
          %broadcast_in_dim3A_473 = vector.shape_cast %sub3A_247 : vector<16xi32> to vector<16x1xi32>
          %gather3A_474 = vector.shape_cast %broadcast_in_dim3A_473 : vector<16x1xi32> to vector<16xi32>
          %gather3A_475 = tpu.dynamic_gather %get3A_472[%gather3A_474] in [0] : vector<16xf32>, vector<16xi32> -> vector<16xf32>
          %mul3A_476 = arith.mulf %get3A_472, %get3A_442 : vector<16xf32>
          %mul3A_477 = arith.mulf %gather3A_475, %mul3A_447 : vector<16xf32>
          %add3A_478 = arith.addf %mul3A_476, %mul3A_477 : vector<16xf32>
          %swap3A_479 = arith.constant 1 : i32
          %swap3A_480 = arith.index_cast %swap3A_479 : i32 to index
          %swap3A_481 = arith.index_cast %add3A_301 : i32 to index
          %swap3A_482 = arith.constant 48 : index
          %swap3A_483 = tpu.vector_load %arg13[%swap3A_480, %swap3A_481, %swap3A_482] {strides = array<i32>} : memref<2x72x64xf32, #tpu.memory_space<vmem>>, vector<1x1x16xf32>,
          %swap3A_484 = vector.shape_cast %swap3A_483 : vector<1x1x16xf32> to vector<16xf32>
          %swap3A_485 = vector.shape_cast %add3A_478 : vector<16xf32> to vector<1x1x16xf32>
          tpu.vector_store %arg13[%swap3A_480, %swap3A_481, %swap3A_482], %swap3A_485 {strides = array<i32>} : memref<2x72x64xf32, #tpu.memory_space<vmem>>, vector<1x1x16xf32>,
        }
        %scan3A_259 = arith.constant 72 : i32
        %add3A_260 = arith.constant 1 : i32
        %add3A_261 = arith.addi %add3A_74, %add3A_260 : i32
        %jit3A_262 = arith.constant 2 : i32
        %div3A_263 = arith.divsi %add3A_261, %jit3A_262 : i32
        %sign3A_264 = arith.constant 0 : i32
        %sign3A_265 = arith.cmpi sgt, %add3A_261, %sign3A_264 : i32
        %sign3A_266 = arith.extui %sign3A_265 : i1 to i32
        %sign3A_267 = arith.constant 0 : i32
        %sign3A_268 = arith.cmpi slt, %add3A_261, %sign3A_267 : i32
        %sign3A_269 = arith.extui %sign3A_268 : i1 to i32
        %sign3A_270 = arith.subi %sign3A_266, %sign3A_269 : i32
        %sign3A_271 = arith.constant 0 : i32
        %sign3A_272 = arith.cmpi sgt, %jit3A_262, %sign3A_271 : i32
        %sign3A_273 = arith.extui %sign3A_272 : i1 to i32
        %sign3A_274 = arith.constant 0 : i32
        %sign3A_275 = arith.cmpi slt, %jit3A_262, %sign3A_274 : i32
        %sign3A_276 = arith.extui %sign3A_275 : i1 to i32
        %sign3A_277 = arith.subi %sign3A_273, %sign3A_276 : i32
        %ne3A_278 = arith.cmpi ne, %sign3A_270, %sign3A_277 : i32
        %rem3A_279 = arith.remsi %add3A_261, %jit3A_262 : i32
        %ne3A_280 = arith.constant 0 : i32
        %ne3A_281 = arith.cmpi ne, %rem3A_279, %ne3A_280 : i32
        %and3A_282 = arith.andi %ne3A_278, %ne3A_281 : i1
        %sub3A_283 = arith.constant 1 : i32
        %sub3A_284 = arith.subi %div3A_263, %sub3A_283 : i32
        %select_n3A_285 = arith.select %and3A_282, %sub3A_284, %div3A_263 : i32
        %rem3A_286 = arith.constant 2 : i32
        %rem3A_287 = arith.remsi %add3A_261, %rem3A_286 : i32
        %mul3A_288 = arith.constant 2 : i32
        %mul3A_289 = arith.muli %rem3A_287, %mul3A_288 : i32
        %add3A_290 = arith.addi %mul3A_22, %mul3A_289 : i32
        %dma_start3A_291 = arith.constant 0 : i32
        %dma_start3A_292 = tpu.memref_slice %arg5[%select_n3A_285, %add3A_290, %multiple_of3A, %dma_start3A_291] : memref<64x16x576x64xf32, #tpu.memory_space<hbm>> -> memref<1x2x72x64xf32, #tpu.memory_space<hbm>>
        %dma_start3A_293 = tpu.memref_squeeze %dma_start3A_292 : memref<1x2x72x64xf32, #tpu.memory_space<hbm>> -> memref<2x72x64xf32, #tpu.memory_space<hbm>>
        %dma_start3A_294 = arith.constant 0 : i32
        %dma_start3A_295 = tpu.memref_slice %arg5[%select_n3A_285, %add3A_290, %multiple_of3A, %dma_start3A_294] : memref<64x16x576x64xf32, #tpu.memory_space<hbm>> -> memref<1x2x72x64xf32, #tpu.memory_space<hbm>>
        %dma_start3A_296 = tpu.memref_squeeze %dma_start3A_295 : memref<1x2x72x64xf32, #tpu.memory_space<hbm>> -> memref<2x72x64xf32, #tpu.memory_space<hbm>>
        tpu.enqueue_dma source(%arg13 : memref<2x72x64xf32, #tpu.memory_space<vmem>>) target(%dma_start3A_296 : memref<2x72x64xf32, #tpu.memory_space<hbm>>) target_semaphore(%arg17 : memref<!tpu.dma_semaphore, #tpu.memory_space<semaphore_mem>>)
      } else {
      }
    }
    %scan3A_44 = arith.constant 64 : i32
    %rem3A_45 = arith.constant 126 : i32
    %rem3A_46 = arith.constant 2 : i32
    %rem3A_47 = arith.remsi %rem3A_45, %rem3A_46 : i32
    %mul3A_48 = arith.constant 2 : i32
    %mul3A_49 = arith.muli %rem3A_47, %mul3A_48 : i32
    %add3A_50 = arith.addi %mul3A_22, %mul3A_49 : i32
    %dma_wait3A = arith.constant 63 : i32
    %dma_wait3A_51 = arith.constant 0 : i32
    %dma_wait3A_52 = tpu.memref_slice %arg5[%dma_wait3A, %add3A_50, %multiple_of3A, %dma_wait3A_51] : memref<64x16x576x64xf32, #tpu.memory_space<hbm>> -> memref<1x2x72x64xf32, #tpu.memory_space<hbm>>
    %dma_wait3A_53 = tpu.memref_squeeze %dma_wait3A_52 : memref<1x2x72x64xf32, #tpu.memory_space<hbm>> -> memref<2x72x64xf32, #tpu.memory_space<hbm>>
    %dma_wait3A_54 = arith.constant 0 : i32
    %dma_wait3A_55 = tpu.memref_slice %arg5[%dma_wait3A, %add3A_50, %multiple_of3A, %dma_wait3A_54] : memref<64x16x576x64xf32, #tpu.memory_space<hbm>> -> memref<1x2x72x64xf32, #tpu.memory_space<hbm>>
    %dma_wait3A_56 = tpu.memref_squeeze %dma_wait3A_55 : memref<1x2x72x64xf32, #tpu.memory_space<hbm>> -> memref<2x72x64xf32, #tpu.memory_space<hbm>>
    tpu.wait_dma2 semaphore(%arg16 : memref<!tpu.dma_semaphore, #tpu.memory_space<semaphore_mem>>) src(%arg12 : memref<2x72x64xf32, #tpu.memory_space<vmem>>) dst(%dma_wait3A_56 : memref<2x72x64xf32, #tpu.memory_space<hbm>>)
    %rem3A_57 = arith.constant 127 : i32
    %rem3A_58 = arith.constant 2 : i32
    %rem3A_59 = arith.remsi %rem3A_57, %rem3A_58 : i32
    %mul3A_60 = arith.constant 2 : i32
    %mul3A_61 = arith.muli %rem3A_59, %mul3A_60 : i32
    %add3A_62 = arith.addi %mul3A_22, %mul3A_61 : i32
    %dma_wait3A_63 = arith.constant 63 : i32
    %dma_wait3A_64 = arith.constant 0 : i32
    %dma_wait3A_65 = tpu.memref_slice %arg5[%dma_wait3A_63, %add3A_62, %multiple_of3A, %dma_wait3A_64] : memref<64x16x576x64xf32, #tpu.memory_space<hbm>> -> memref<1x2x72x64xf32, #tpu.memory_space<hbm>>
    %dma_wait3A_66 = tpu.memref_squeeze %dma_wait3A_65 : memref<1x2x72x64xf32, #tpu.memory_space<hbm>> -> memref<2x72x64xf32, #tpu.memory_space<hbm>>
    %dma_wait3A_67 = arith.constant 0 : i32
    %dma_wait3A_68 = tpu.memref_slice %arg5[%dma_wait3A_63, %add3A_62, %multiple_of3A, %dma_wait3A_67] : memref<64x16x576x64xf32, #tpu.memory_space<hbm>> -> memref<1x2x72x64xf32, #tpu.memory_space<hbm>>
    %dma_wait3A_69 = tpu.memref_squeeze %dma_wait3A_68 : memref<1x2x72x64xf32, #tpu.memory_space<hbm>> -> memref<2x72x64xf32, #tpu.memory_space<hbm>>
    tpu.wait_dma2 semaphore(%arg17 : memref<!tpu.dma_semaphore, #tpu.memory_space<semaphore_mem>>) src(%arg13 : memref<2x72x64xf32, #tpu.memory_space<vmem>>) dst(%dma_wait3A_69 : memref<2x72x64xf32, #tpu.memory_space<hbm>>)
    return
  }
}

</mosaic_0001>

<sc_bundles>
// kernel: kernel.3.cloned.1.call-start
scs
__scs_entry_jumppad:
0x0: {  	(pc) =	sbr.rel $0x88, $3  }
0x1: {  	(tag) =	ssettag $0x0;
	lr =	simm.s32 $0x1  }
0x2: {  	[smem:$0x3F9D] =	sst lr;
	_ =	strace $0xD0000000  }
0x3: {  	_ = 	snop  }
0x4: {  	_ = 	snop  }
0x5: {  	_ = 	snop  }
0x6: {  	_ = 	snop  }
0x7: {  	_ = 	snop  }
__scs_overlays_trampoline_lowered:
0x8: {  	[smem:$0x3FAC] =	sst s0  }
0x9: {  	[smem:$0x3FAD] =	sst s1  }
0xa: {  	[smem:$0x3FAE] =	sst s2  }
0xb: {  	[smem:$0x3FAF] =	sst s3  }
0xc: {  	[smem:$0x3FB0] =	sst s4  }
0xd: {  	[smem:$0x3FB1] =	sst s5  }
0xe: {  	[smem:$0x3FB2] =	sst s6  }
0xf: {  	[smem:$0x3FB3] =	sst s7  }
0x10: {  	[smem:$0x3FB4] =	sst s8  }
0x11: {  	[smem:$0x3FB5] =	sst s9;
	s0 =	simm.s32 @!p0 $0x0  }
0x12: {  	s1 =	sld [smem:$0x3F9B];
	s0 =	simm.s32 @p0 $0x1  }
0x13: {  	[smem:$0x3FB6] =	sst s0;
	s0 =	simm.s32 @!p1 $0x0  }
0x14: {  	s2 =	sld [smem:$0x3F9A];
	s0 =	simm.s32 @p1 $0x1  }
0x15: {  	[smem:$0x3FB7] =	sst s0;
	s0 =	simm.s32 @!p2 $0x0  }
0x16: {  	s3 =	sld [smem:$0x3FDB];
	s0 =	simm.s32 @p2 $0x1  }
0x17: {  	s4 =	simm.s32 $0x1BF5;
	[smem:$0x3FB9] =	sst s0  }
0x18: {  	s0 =	sld [smem:$0x3F9C];
	_ =	swait.ge [sflag:s4], $0x0  }
0x19: {  	s7 =	sld [smem:$0x3F9D]  }
0x1a: {  	s8 =	sadd.s32 $0xFFFFE003, lr  }
0x1b: {  	s9 =	sadd.s32 $0xFFFFFEF7, lr;
	s5 =	simm.s32 $0xFFFFFFFF;
	p2 =	slt.u32 s8, $0xFFFFF086  }
0x1c: {  	p1 =	slt.u32 s9, $0xF7A;
	s5 =	simm.s32 @!p2 $0x0  }
0x1d: {  	s5 =	simm.s32 @p1 $0x1;
	p0 =	seq.s32 s7, s2  }
0x1e: {  	s7 =	smul.u32 @!p0 $0xF7A, s2;
	p2 =	seq.s32 @!p0 s5, $0x0  }
0x1f: {  	s9 =	smul.u32 $0xF7A, s1;
	s8 =	simm.s32 @!p0 $0x1BF5;
	p2 =	por !p2, p0  }
0x20: {  	[sflag:s8] =	ssyncset.s32 @!p0 $0xFFFFF086;
	s6 =	sadd.s32 @!p0 s3, s7;
	s7 =	simm.s32 @!p0 $0x108  }
0x21: {  	s3 =	sadd.s32 s3, s9;
	s6 =	sadd.s32 @!p0 $0x88, s6;
	s7 =	simm.s32 @p2 $0x1082  }
0x22: {  	[simem:s7], [sflag:s8] =	dma.local @!p0 [hbm:s6], $0xF7A  }
0x23: {  	s9 =	sor.u32 $0xD0000000, s2;
	s6 =	simm.s32 $0x108;
	_ =	swait.ge @!p0 [sflag:s8], $0x0  }
0x24: {  	s3 =	sadd.s32 $0x88, s3;
	s6 =	simm.s32 @!p1 $0x1082;
	[sflag:s4] =	ssyncset.s32 $0xFFFFF086  }
0x25: {  	[simem:s6], [sflag:s4] =	dma.local [hbm:s3], $0xF7A  }
0x26: {  	[smem:$0x3F9D] =	sst s1;
	(tag) =	ssettag s2;
	_ =	strace s9  }
0x27: {  	s1 =	sld [smem:$0x3FAD]  }
0x28: {  	s2 =	sld [smem:$0x3FAE]  }
0x29: {  	s4 =	sld [smem:$0x3FB0]  }
0x2a: {  	p0 =	seq.s32 s5, $0x0;
	s5 =	sld [smem:$0x3FB1]  }
0x2b: {  	s6 =	sld [smem:$0x3FB2]  }
0x2c: {  	s7 =	sld [smem:$0x3FB3]  }
0x2d: {  	s3 =	simm.s32 $0x108;
	s8 =	sld [smem:$0x3FB4]  }
0x2e: {  	s3 =	simm.s32 @!p0 $0x1082;
	s9 =	sld [smem:$0x3FB5]  }
0x2f: {  	lr =	sadd.s32 s0, s3;
	s0 =	sld [smem:$0x3FAC]  }
0x30: {  	s3 =	sld [smem:$0x3FAF]  }
0x31: {  	[smem:$0x3FB8] =	sst s10  }
0x32: {  	s10 =	sld [smem:$0x3FB6];
	_ =	sdelay $0x3  }
0x33: {  	p0 =	seq.s32 s10, $0x1;
	s10 =	sld [smem:$0x3FB8];
	_ =	sdelay $0x3  }
0x34: {  	[smem:$0x3FB8] =	sst s10  }
0x35: {  	s10 =	sld [smem:$0x3FB7];
	_ =	sdelay $0x3  }
0x36: {  	p1 =	seq.s32 s10, $0x1;
	s10 =	sld [smem:$0x3FB8];
	_ =	sdelay $0x3  }
0x37: {  	[smem:$0x3FB8] =	sst s10  }
0x38: {  	s10 =	sld [smem:$0x3FB9]  }
0x39: {  	_ = 	snop;
	(pc) =	sbr.ind lr, $3  }
0x3a: {  	_ = 	snop  }
0x3b: {  	_ = 	snop  }
0x3c: {  	p2 =	seq.s32 s10, $0x1;
	s10 =	sld [smem:$0x3FB8]  }
0x3d: {  	_ =	shalt  }
0x3e: {  	_ =	shalt  }
0x3f: {  	_ =	shalt  }
0x40: {  	_ =	shalt  }
0x41: {  	_ =	shalt  }
0x42: {  	_ =	shalt  }
0x43: {  	_ =	shalt  }
0x44: {  	_ =	shalt  }
0x45: {  	_ =	shalt  }
0x46: {  	_ =	shalt  }
0x47: {  	_ =	shalt  }
0x48: {  	_ =	shalt  }
0x49: {  	_ =	shalt  }
0x4a: {  	_ =	shalt  }
0x4b: {  	_ =	shalt  }
0x4c: {  	_ =	shalt  }
0x4d: {  	_ =	shalt  }
0x4e: {  	_ =	shalt  }
0x4f: {  	_ =	shalt  }
0x50: {  	_ =	shalt  }
0x51: {  	_ =	shalt  }
0x52: {  	_ =	shalt  }
0x53: {  	_ =	shalt  }
0x54: {  	_ =	shalt  }
0x55: {  	_ =	shalt  }
0x56: {  	_ =	shalt  }
0x57: {  	_ =	shalt  }
0x58: {  	_ =	shalt  }
0x59: {  	_ =	shalt  }
0x5a: {  	_ =	shalt  }
0x5b: {  	_ =	shalt  }
0x5c: {  	_ =	shalt  }
0x5d: {  	_ =	shalt  }
0x5e: {  	_ =	shalt  }
0x5f: {  	_ =	shalt  }
0x60: {  	_ =	shalt  }
0x61: {  	_ =	shalt  }
0x62: {  	_ =	shalt  }
0x63: {  	_ =	shalt  }
0x64: {  	_ =	shalt  }
0x65: {  	_ =	shalt  }
0x66: {  	_ =	shalt  }
0x67: {  	_ =	shalt  }
0x68: {  	_ =	shalt  }
0x69: {  	_ =	shalt  }
0x6a: {  	_ =	shalt  }
0x6b: {  	_ =	shalt  }
0x6c: {  	_ =	shalt  }
0x6d: {  	_ =	shalt  }
0x6e: {  	_ =	shalt  }
0x6f: {  	_ =	shalt  }
0x70: {  	_ =	shalt  }
0x71: {  	_ =	shalt  }
0x72: {  	_ =	shalt  }
0x73: {  	_ =	shalt  }
0x74: {  	_ =	shalt  }
0x75: {  	_ =	shalt  }
0x76: {  	_ =	shalt  }
0x77: {  	_ =	shalt  }
0x78: {  	_ =	shalt  }
0x79: {  	_ =	shalt  }
0x7a: {  	_ =	shalt  }
0x7b: {  	_ =	shalt  }
0x7c: {  	_ =	shalt  }
0x7d: {  	_ =	shalt  }
0x7e: {  	_ =	shalt  }
0x7f: {  	_ =	shalt  }
0x80: {  	_ =	shalt  }
0x81: {  	_ =	shalt  }
0x82: {  	_ =	shalt  }
0x83: {  	_ =	shalt  }
0x84: {  	_ =	shalt  }
0x85: {  	_ =	shalt  }
0x86: {  	_ =	shalt  }
0x87: {  	_ =	shalt  }
.Lfunc_end0:
.L_simem_size_0:
called_computation_lowered:
.L_overlay_start_0:
0x88: {  	s2 =	sld [smem:$0x3FD9]  }
0x89: {  	s3 =	sld [smem:$0x3FFE];
	_ =	sdelay $0x1  }
0x8a: {  	s1 =	srdreg.scid  }
0x8b: {  	s0 =	sand.u32 $0x1, s1  }
0x8c: {  	s17 =	sshll.u32 s0, $0xA;
	s2 =	sadd.s32 s3, s2  }
0x8d: {  	s2 =	sadd.s32 s2, s17  }
0x8e: {  	[smem:$0x3FC4] =	sst s2  }
0x8f: {  	_ = 	snop  }
0x90: {  	s2 =	sld [smem:$0x3FD0];
	(tm) =	ssettm $0x1  }
0x91: {  	s18 =	sld [smem:$0x3FFB];
	_ =	sdelay $0x3  }
0x92: {  	_ =	strace s18  }
0x93: {  	s3 =	sld [smem:$0x3FFC];
	_ =	sdelay $0x3  }
0x94: {  	_ =	strace s3  }
0x95: {  	s3 =	sld [smem:$0x3FFD];
	_ =	sdelay $0x3  }
0x96: {  	_ =	strace s3  }
0x97: {  	_ =	strace $0x8FFFFFFF  }
0x98: {  	s19 =	sld [smem:$0x3FDB];
	_ =	sdelay $0x1  }
0x99: {  	s4 =	simm.s32 $_scs_section_size  }
0x9a: {  	s5 =	simm.s32 $_size__tile_overlayer_lowered;
	s6 =	simm.s32 $_tile_overlayer_lowered  }
0x9b: {  	s22 =	simm.s32 $0x1BFF;
	s21 =	sshll.u32 s6, $0x1;
	s3 =	sadd.s32 s4, s19  }
0x9c: {  	s7 =	simm.s32 $0x0;
	s20 =	sshll.u32 s5, $0x1;
	s5 =	sadd.s32 s21, s3  }
0x9d: {  	[timem:s7], [sflag:s22] =	dma.local [hbm:s5], s20  }
0x9e: {  	_ =	swait.ge [sflag:s22], s20  }
0x9f: {  	s4 =	ssub.s32 $0x0, s20;
	[sflag:s22] =	ssyncset.done $0x0  }
0xa0: {  	[sflag:s22] =	ssyncadd.s32 s4;
	_ =	sdelay $0x1  }
0xa1: {  	s23 =	simm.s32 $0x1B8B  }
0xa2: {  	_ =	swait.ge [sflag:s23], $0x1  }
0xa3: {  	[sflag:s23] =	ssyncset.done $0x0  }
0xa4: {  	s25 =	simm.s32 $0x1B8E;
	s24 =	sld [smem:$0x3FFE];
	[sflag:s23] =	ssyncadd.s32 $0xFFFFFFFF  }
0xa5: {  	s26 =	simm.s32 $execute0_lowered;
	[smem:$0x3FD2] =	sst s25  }
0xa6: {  	s5 =	sshll.u32 s26, $0x1;
	_ =	strace $0x80000046;
	[dreg:$0x1] =	wrdreg $0xFFFFFFFF  }
0xa7: {  	s28 =	simm.s32 $_size_execute0_lowered;
	s3 =	sadd.s32 s3, s5;
	[dreg:$0x0] =	wrdreg $0x0  }
0xa8: {  	s5 =	sshll.u32 s28, $0x1;
	[dreg:$0x2] =	wrdreg s3  }
0xa9: {  	[dreg:$0x3] =	wrdreg s5  }
0xaa: {  	[dreg:$0x4] =	wrdreg $0xC0  }
0xab: {  	_ =	task [dreg:s7], $0x5FFFF  }
0xac: {  	[dreg:$0x1] =	wrdreg $0xFFFFFFFF  }
0xad: {  	[dreg:$0x0] =	wrdreg $0x60  }
0xae: {  	[dreg:$0x2] =	wrdreg s24  }
0xaf: {  	[dreg:$0x3] =	wrdreg s2  }
0xb0: {  	[dreg:$0x4] =	wrdreg $0x9  }
0xb1: {  	_ =	task.clear_ibuf [dreg:s7], $0x5FFFF;
	_ =	strace $0x90000046  }
0xb2: {  	s29 =	simm.s32 $0x9;
	_ =	strace $0x80000048  }
0xb3: {  	_ =	swait.ge [sflag:s29], $0x1  }
0xb4: {  	[sflag:s29] =	ssyncadd.s32 $0xFFFFFFFF  }
0xb5: {  	_ =	strace $0x90000048  }
0xb6: {  	_ =	sfence  }
0xb7: {  	s30 =	sld [smem:$0x0];
	_ =	sdelay $0x2  }
0xb8: {  	s31 =	sshll.u32 s1, $0xD;
	s1 =	sshrl.u32 s1, $0x2  }
0xb9: {  	s3 =	sand.u32 $0x4000, s31;
	s1 =	sadd.s32 s1, s30  }
0xba: {  	s0 =	sor.u32 s3, s0;
	s1 =	sshll.u32 s1, $0x11  }
0xbb: {  	s0 =	sor.u32 s1, s0  }
0xbc: {  	s0 =	sadd.s32 $0x8F2B, s0  }
0xbd: {  	[sflag:s0] =	ssyncadd.remote.s32 $0x1  }
0xbe: {  	_ =	sfence.sel $0xFFFF  }
0xbf: {  	[dreg:$0x0] =	wrdreg $0xFFFFFFFF;
	(pc) =	sbr.abs _section_cstart, $3  }
0xc0: {  	[dreg:$0x1] =	wrdreg $0xFFFFFFFF  }
0xc1: {  	_ =	task.clear_ibuf [dreg:s7], $0x2FFFF;
	_ =	strace $0x9FFFFFFF  }
0xc2: {  	(tm) =	ssettm $0x7FFFFFFF  }
0xc3: {  	_ =	shalt  }
tec
execute0_lowered:
.L_overlay_start_1:
0x0: {  	(tag) =	ssettag $0x1  }
0x1: {  	s0 =	rddreg [dreg:$0x0]  }
0x2: {  	s2 =	rddreg [dreg:$0x1];
	s9 =	stileid.u32  }
0x3: {  	s3 =	simm.s32 $0x0;
	s1 =	srdreg.scid;
	s13 =	simm.s32 $0x5  }
0x4: {  	s14 =	simm.s32 $0x48;
	s16 =	simm.s32 $0x2400;
	s17 =	simm.s32 $0x12000  }
0x5: {  	s19 =	simm.s32 $0x80;
	s20 =	simm.s32 $0x2500;
	s21 =	simm.s32 $0x9100  }
0x6: {  	s22 =	simm.s32 $0x1;
	s23 =	simm.s32 $0xD900;
	s24 =	simm.s32 $0x2  }
0x7: {  	v0 =	vimm.f32 $1.000000000e+00;
	s28 =	simm.s32 $0x4;
	s29 =	simm.s32 $0x0;
	s4 =	sshll.u32 s9, $0x1  }
0x8: {  	vm0 =	vcmask $0x300;
	vm9 =	vcmask $0xB08;
	vm10 =	vcmask $0x1310;
	[smem:$0x7FF] =	sst s3;
	s1 =	sand.u32 $0x1, s1;
	s8 =	sshrl.u32 s9, $0x2  }
0x9: {  	v1 =	vimm.s32 $0xEFCDAB89;
	v2 =	vimm.s32 $0x67452301;
	s9 =	sand.u32 $0xC, s9;
	v0 =	vsel vm0, $0xBF800000, v0;
	s4 =	sand.u32 $0x6, s4;
	s25 =	smul.u32 $0x48000, s8  }
0xa: {  	s5 =	sadd.s32 $0x1600, s0;
	v1 =	vunpack.c.l.s4.s8 v1;
	v2 =	vunpack.c.l.s4.s8 v2;
	s26 =	smul.u32 $0x12000, s9;
	v0 =	vsel vm9, $0xBF800000, v0;
	s7 =	sor.u32 s1, s4  }
0xb: {  	vm11 =	vcmask $0x1B18;
	vm12 =	vcmask $0x2320;
	s6 =	sadd.s32 $0x901600, s0;
	s1 =	ssub.s32 $0x2, s1;
	v0 =	vsel vm10, $0xBF800000, v0;
	s11 =	smul.u32 $0x2400, s7  }
0xc: {  	_ =	strace $0x80000047;
	v1 =	vunpack.c.0.s8.s32 v1;
	v2 =	vunpack.c.0.s8.s32 v2;
	s7 =	smul.u32 $0x48, s7;
	s10 =	sshrl.u32 s1, $0x1;
	v0 =	vsel vm11, $0xBF800000, v0  }
0xd: {  	vm13 =	vcmask $0x2B28;
	s4 =	sadd.s32 $0x400, s0;
	s1 =	ssub.s32 s1, s10;
	v0 =	vsel vm12, $0xBF800000, v0;
	s8 =	sadd.s32 s25, s11  }
0xe: {  	vm14 =	vcmask $0x3330;
	v1 =	vcombine.low v2, v1;
	s30 =	sshrl.u32 s7, $0x3;
	s0 =	sadd.s32 s26, s11;
	s12 =	smax.u32 s1, $0x1;
	v0 =	vsel vm13, $0xBF800000, v0  }
0xf: {  	vm15 =	vcmask $0x3B38;
	s25 =	simm.s32 $0x12100;
	s26 =	simm.s32 $0x3;
	s31 =	sshrl.u32 s8, $0x3;
	v0 =	vsel vm14, $0xBF800000, v0  }
0x10: {  	s9 =	sadd.s32 s4, s30;
	s11 =	sadd.s32 $0x24000, s0;
	v1 =	vand.u32 $0xF, v1;
	s10 =	sadd.s32 s5, s31;
	v0 =	vsel vm15, $0xBF800000, v0  }
.LBB2_1:
0x11: {  	[tilespmem:s3], [sflag:$0x5] =	stream.linear.gather [hbm4b:s9+s3], $0x48, $0x38;
	[tilespmem:$0x16900] =	vst v63  }
0x12: {  	_ =	swait.ge [sflag:s13], $0x48  }
0x13: {  	[sflag:s13] =	ssyncset.done $0x0  }
0x14: {  	s0 =	simm.s32 $0x100;
	[sflag:s13] =	ssyncadd.s32 $0xFFFFFFB8  }
0x15: {  	[tilespmem:s0], [sflag:$0x1] =	stream.indirect.gather [hbm4b:s2+s14], $0x80, s3, s14, $0xb8;
	[tilespmem:$0x16900] =	vst v63  }
0x16: {  	s31 =	simm.s32 $0x4900;
	s30 =	simm.s32 $0x0  }
0x17: {  	[tilespmem:s31], [sflag:$0x1] =	stream.strided.gather [hbm4b:s10+s16], $0x4800, s17, s16, $0x38;
	[tilespmem:$0x16900] =	vst v63  }
.LBB2_2:
0x18: {  	s0 =	smul.u32 $0x240, s30;
	_ =	sdelay $0x1  }
0x19: {  	s0 =	sadd.s32 s7, s0  }
0x1a: {  	s0 =	sshrl.u32 s0, $0x3  }
0x1b: {  	s0 =	sadd.s32 s4, s0  }
0x1c: {  	[tilespmem:s19], [sflag:$0x5] =	stream.linear.gather [hbm4b:s0+s3], $0x48, $0x38;
	[tilespmem:$0x16900] =	vst v63  }
0x1d: {  	s0 =	smul.u32 $0x120000, s30  }
0x1e: {  	_ =	swait.ge [sflag:s13], $0x48  }
0x1f: {  	[sflag:s13] =	ssyncset.done $0x0;
	s1 =	sadd.s32 s0, s11  }
0x20: {  	[sflag:s13] =	ssyncadd.s32 $0xFFFFFFB8;
	s31 =	sshrl.u32 s1, $0x3  }
0x21: {  	[tilespmem:s20], [sflag:$0x2] =	stream.indirect.gather [hbm4b:s2+s14], $0x80, s19, s14, $0xb8;
	[tilespmem:$0x16900] =	vst v63  }
0x22: {  	s1 =	sadd.s32 s5, s31  }
0x23: {  	[tilespmem:s21], [sflag:$0x2] =	stream.strided.gather [hbm4b:s1+s16], $0x4800, s17, s16, $0x38;
	[tilespmem:$0x16900] =	vst v63  }
0x24: {  	_ =	swait.ge [sflag:s22], $0x2400  }
0x25: {  	[sflag:s22] =	ssyncset.done $0x0  }
0x26: {  	[sflag:s22] =	ssyncadd.s32 $0xFFFFDC00  }
0x27: {  	_ =	swait.ge [sflag:s22], $0x4800  }
0x28: {  	p0 =	seq.s32 s30, $0x0;
	[sflag:s22] =	ssyncset.done $0x0  }
0x29: {  	s1 =	simm.s32 @!p0 $0x3;
	[sflag:s22] =	ssyncadd.s32 $0xFFFFB800  }
0x2a: {  	_ =	swait.ge @!p0 [sflag:s1], $0x4800  }
0x2b: {  	[sflag:s1] =	ssyncset.done @!p0 $0x0  }
0x2c: {  	s15 =	simm.s32 $0x0;
	[sflag:s1] =	ssyncadd.s32 @!p0 $0xFFFFB800  }
0x2d: {  	v3 =	vld [tilespmem:s15+$0x170]  }
0x2e: {  	v6 =	vld [tilespmem:s15+$0x6D30]  }
0x2f: {  	v10 =	vld [tilespmem:s15+$0x140]  }
0x30: {  	v2 =	vld [tilespmem:s15+$0x130]  }
0x31: {  	v5 =	vld [tilespmem:s15+$0x4900]  }
0x32: {  	v4 =	vld [tilespmem:s15+$0x6D00]  }
0x33: {  	v11 =	vld [tilespmem:s15+$0x150]  }
0x34: {  	v7 =	vld [tilespmem:s15+$0x4910];
	v3 =	vmul.f32 v0, v3;
	v9 =	vperm.xlane v6, v1  }
0x35: {  	v8 =	vld [tilespmem:s15+$0x6D10]  }
0x36: {  	v15 =	vld [tilespmem:s15+$0x160];
	v6 =	vmul.f32 v6, v2;
	v12 =	vmul.f32 v9, v3  }
0x37: {  	v13 =	vmul.f32 v0, v10;
	v9 =	vld [tilespmem:s15+$0x4920]  }
0x38: {  	v10 =	vld [tilespmem:s15+$0x6D20];
	v14 =	vperm.xlane v5, v1;
	v16 =	vperm.xlane v4, v1;
	v12 =	vadd.f32 v12, v6  }
0x39: {  	v11 =	vmul.f32 v0, v11;
	v18 =	vperm.xlane v7, v1;
	v6 =	vld [tilespmem:s15+$0x4930]  }
0x3a: {  	v19 =	vld [tilespmem:s15+$0x100];
	v20 =	vperm.xlane v8, v1;
	[tilespmem:s15+$0xFD30] =	vst v12;
	v12 =	vmul.f32 v14, v13  }
0x3b: {  	v17 =	vld [tilespmem:s15+$0x110];
	v13 =	vmul.f32 v16, v13;
	v14 =	vmul.f32 v18, v11  }
0x3c: {  	s1 =	simm.s32 $0x80;
	v18 =	vmul.f32 v0, v15;
	v15 =	vld [tilespmem:s15+$0x120];
	v21 =	vperm.xlane v9, v1  }
0x3d: {  	s18 =	simm.s32 $0x400;
	v11 =	vmul.f32 v20, v11;
	v20 =	vperm.xlane v10, v1;
	v16 =	vld [tilespmem:s1+$0x170]  }
.LBB2_3:
0x3e: {  	p1 =	sne.s32 s18, $0x8E00;
	v22 =	vld [tilespmem:s1+$0x6D30];
	v21 =	vmul.f32 v21, v18;
	v23 =	vperm.xlane v6, v1  }
0x3f: {  	v24 =	vld [tilespmem:s1+$0x140];
	v25 =	vmul.f32 v5, v19;
	v18 =	vmul.f32 v20, v18  }
0x40: {  	v19 =	vmul.f32 v4, v19;
	v20 =	vld [tilespmem:s1+$0x130];
	v23 =	vmul.f32 v23, v3  }
0x41: {  	v7 =	vmul.f32 v7, v17;
	v8 =	vmul.f32 v8, v17;
	v5 =	vld [tilespmem:s1+$0x4900];
	v12 =	vadd.f32 v12, v25  }
0x42: {  	v13 =	vadd.f32 v13, v19;
	v9 =	vmul.f32 v9, v15;
	v10 =	vmul.f32 v10, v15;
	v4 =	vld [tilespmem:s1+$0x6D00]  }
0x43: {  	v3 =	vmul.f32 v0, v16;
	v15 =	vld [tilespmem:s1+$0x150];
	v16 =	vperm.xlane v22, v1;
	[tilespmem:s15+$0xD900] =	vst v12;
	v12 =	vadd.f32 v14, v7  }
0x44: {  	v11 =	vadd.f32 v11, v8;
	v14 =	vmul.f32 v0, v24;
	v7 =	vld [tilespmem:s1+$0x4910];
	[tilespmem:s15+$0xFD00] =	vst v13;
	v24 =	vmul.f32 v6, v2  }
0x45: {  	v8 =	vld [tilespmem:s1+$0x6D10];
	v6 =	vmul.f32 v22, v20;
	v13 =	vmul.f32 v16, v3;
	[tilespmem:s15+$0xD910] =	vst v12;
	v12 =	vadd.f32 v21, v9  }
0x46: {  	v16 =	vperm.xlane v5, v1;
	v21 =	vld [tilespmem:s1+$0x160];
	[tilespmem:s15+$0xFD10] =	vst v11;
	v11 =	vadd.f32 v18, v10;
	v17 =	vadd.f32 v23, v24  }
0x47: {  	v2 =	vmov v20;
	v18 =	vperm.xlane v4, v1;
	v9 =	vld [tilespmem:s1+$0x4920];
	v19 =	vadd.f32 v13, v6;
	[tilespmem:s15+$0xD920] =	vst v12  }
0x48: {  	v12 =	vmul.f32 v16, v14;
	v15 =	vmul.f32 v0, v15;
	v10 =	vld [tilespmem:s1+$0x6D20];
	[tilespmem:s15+$0xFD20] =	vst v11  }
.Ltmp0:
0x49: {  	v13 =	vmul.f32 v18, v14;
	v11 =	vperm.xlane v7, v1;
	v6 =	vld [tilespmem:s1+$0x4930];
	[tilespmem:s1+$0xFD30] =	vst v19;
	(pc) =	sbr.rel @p1 .LBB2_3-.Ltmp0, $4  }
0x4a: {  	v19 =	vld [tilespmem:s1+$0x100];
	v16 =	vperm.xlane v8, v1;
	[tilespmem:s15+$0xD930] =	vst v17;
	s15 =	smov.u32 s1  }
0x4b: {  	v17 =	vld [tilespmem:s15+$0x110];
	v14 =	vmul.f32 v11, v15;
	v18 =	vmul.f32 v0, v21  }
0x4c: {  	s1 =	sshra.s32 s18, $0x2;
	v11 =	vmul.f32 v16, v15;
	v15 =	vld [tilespmem:s15+$0x120];
	v21 =	vperm.xlane v9, v1  }
0x4d: {  	s18 =	sadd.s32 $0x200, s18;
	v16 =	vld [tilespmem:s1+$0x170];
	v20 =	vperm.xlane v10, v1  }
0x4e: {  	v22 =	vld [tilespmem:s1+$0x6D30]  }
0x4f: {  	v23 =	vld [tilespmem:s1+$0x140];
	v5 =	vmul.f32 v5, v19  }
0x50: {  	v24 =	vld [tilespmem:s1+$0x130];
	v4 =	vmul.f32 v4, v19  }
0x51: {  	v25 =	vld [tilespmem:s1+$0x4900];
	v7 =	vmul.f32 v7, v17;
	v5 =	vadd.f32 v12, v5  }
0x52: {  	v19 =	vld [tilespmem:s1+$0x150];
	v8 =	vmul.f32 v8, v17;
	v4 =	vadd.f32 v13, v4  }
0x53: {  	v12 =	vld [tilespmem:s1+$0x6D00];
	v13 =	vmul.f32 v21, v18;
	v7 =	vadd.f32 v14, v7;
	[tilespmem:s15+$0xD900] =	vst v5  }
0x54: {  	v9 =	vmul.f32 v9, v15;
	v10 =	vmul.f32 v10, v15;
	v8 =	vadd.f32 v11, v8;
	v5 =	vld [tilespmem:s1+$0x4910];
	[tilespmem:s15+$0xFD00] =	vst v4  }
0x55: {  	v14 =	vmul.f32 v0, v16;
	v15 =	vperm.xlane v22, v1;
	v4 =	vld [tilespmem:s1+$0x6D10];
	[tilespmem:s15+$0xD910] =	vst v7  }
0x56: {  	v7 =	vmul.f32 v20, v18;
	v11 =	vld [tilespmem:s1+$0x160];
	[tilespmem:s15+$0xFD10] =	vst v8;
	v8 =	vperm.xlane v6, v1  }
0x57: {  	v9 =	vadd.f32 v13, v9;
	v16 =	vmul.f32 v22, v24;
	v15 =	vmul.f32 v15, v14  }
0x58: {  	v2 =	vmul.f32 v6, v2;
	v7 =	vadd.f32 v7, v10;
	v3 =	vmul.f32 v8, v3  }
0x59: {  	v13 =	vld [tilespmem:s1+$0x4920];
	[tilespmem:s15+$0xD920] =	vst v9;
	v6 =	vadd.f32 v15, v16  }
0x5a: {  	v9 =	vld [tilespmem:s1+$0x6D20];
	[tilespmem:s15+$0xFD20] =	vst v7;
	v2 =	vadd.f32 v3, v2  }
0x5b: {  	v10 =	vperm.xlane v25, v1;
	v8 =	vmul.f32 v0, v23;
	[tilespmem:s1+$0xFD30] =	vst v6;
	v3 =	vld [tilespmem:s1+$0x100]  }
0x5c: {  	v15 =	vperm.xlane v5, v1;
	v7 =	vld [tilespmem:s1+$0x4930];
	v6 =	vperm.xlane v12, v1;
	[tilespmem:s15+$0xD930] =	vst v2  }
0x5d: {  	v10 =	vmul.f32 v10, v8;
	v2 =	vmul.f32 v0, v19;
	v16 =	vld [tilespmem:s1+$0x110]  }
0x5e: {  	v6 =	vmul.f32 v6, v8;
	v8 =	vperm.xlane v4, v1  }
0x5f: {  	v11 =	vmul.f32 v0, v11;
	v17 =	vld [tilespmem:s1+$0x120];
	v15 =	vmul.f32 v15, v2  }
0x60: {  	v2 =	vmul.f32 v8, v2;
	v8 =	vmul.f32 v25, v3  }
0x61: {  	v18 =	vperm.xlane v13, v1;
	v3 =	vmul.f32 v12, v3  }
0x62: {  	v12 =	vperm.xlane v9, v1;
	v8 =	vadd.f32 v10, v8;
	v5 =	vmul.f32 v5, v16  }
0x63: {  	v10 =	vmul.f32 v18, v11;
	v3 =	vadd.f32 v6, v3;
	v4 =	vmul.f32 v4, v16  }
0x64: {  	v6 =	vperm.xlane v7, v1;
	v13 =	vmul.f32 v13, v17;
	[tilespmem:s1+$0xD900] =	vst v8;
	v5 =	vadd.f32 v15, v5  }
0x65: {  	v9 =	vmul.f32 v9, v17;
	v8 =	vmul.f32 v12, v11;
	[tilespmem:s1+$0xFD00] =	vst v3;
	v2 =	vadd.f32 v2, v4  }
0x66: {  	v3 =	vmul.f32 v6, v14;
	v4 =	vmul.f32 v7, v24;
	[tilespmem:s1+$0xD910] =	vst v5;
	v5 =	vadd.f32 v10, v13  }
0x67: {  	[tilespmem:s1+$0xFD10] =	vst v2;
	v2 =	vadd.f32 v8, v9  }
0x68: {  	s0 =	sadd.s32 s0, s8;
	p1 =	seq.s32 s30, $0x3F;
	v3 =	vadd.f32 v3, v4;
	[tilespmem:s1+$0xD920] =	vst v5  }
0x69: {  	s0 =	sshrl.u32 s0, $0x3;
	s15 =	sadd.s32 @!p1 $0x1, s30;
	[tilespmem:s1+$0xFD20] =	vst v2  }
0x6a: {  	s0 =	sadd.s32 s6, s0;
	[tilespmem:s1+$0xD930] =	vst v3;
	s1 =	smul.u32 @!p1 $0x240, s15  }
0x6b: {  	[hbm4b:s0+s16] =	stream.strided.scatter [tilespmem:s23], [sflag:$0x3], $0x4800, s17, s16, $0x38;
	[tilespmem:$0x16900] =	vst v63  }
0x6c: {  	s0 =	sadd.s32 @!p1 s7, s1  }
0x6d: {  	s0 =	sshrl.u32 @!p1 s0, $0x3  }
0x6e: {  	s1 =	simm.s32 @!p1 $0x0;
	s0 =	sadd.s32 @!p1 s4, s0  }
0x6f: {  	[tilespmem:s1], [sflag:$0x5] =	stream.linear.gather @!p1 [hbm4b:s0+s1], $0x48, $0x38;
	[tilespmem:$0x16900] =	vst v63  }
0x70: {  	s0 =	simm.s32 @!p1 $0x5  }
0x71: {  	_ =	swait.ge @!p1 [sflag:s0], $0x48  }
0x72: {  	s18 =	simm.s32 @!p1 $0x100;
	[sflag:s0] =	ssyncset.done @!p1 $0x0  }
0x73: {  	s15 =	smul.u32 @!p1 $0x120000, s15;
	[sflag:s0] =	ssyncadd.s32 @!p1 $0xFFFFFFB8;
	s0 =	simm.s32 @!p1 $0x48  }
0x74: {  	[tilespmem:s18], [sflag:$0x1] =	stream.indirect.gather @!p1 [hbm4b:s2+s0], $0x80, s1, s0, $0xb8;
	[tilespmem:$0x16900] =	vst v63  }
0x75: {  	s0 =	sadd.s32 @!p1 s15, s8  }
0x76: {  	s1 =	simm.s32 @!p1 $0x2400;
	s0 =	sshrl.u32 @!p1 s0, $0x3  }
0x77: {  	s15 =	simm.s32 @!p1 $0x12000;
	s18 =	simm.s32 @!p1 $0x4900;
	s0 =	sadd.s32 @!p1 s5, s0  }
0x78: {  	[tilespmem:s18], [sflag:$0x1] =	stream.strided.gather @!p1 [hbm4b:s0+s1], $0x4800, s15, s1, $0x38;
	[tilespmem:$0x16900] =	vst v63  }
0x79: {  	_ =	swait.ge [sflag:s24], $0x2400  }
0x7a: {  	[sflag:s24] =	ssyncset.done $0x0  }
0x7b: {  	[sflag:s24] =	ssyncadd.s32 $0xFFFFDC00  }
0x7c: {  	_ =	swait.ge [sflag:s24], $0x4800  }
0x7d: {  	[sflag:s24] =	ssyncset.done $0x0  }
0x7e: {  	s0 =	simm.s32 @!p0 $0x4;
	[sflag:s24] =	ssyncadd.s32 $0xFFFFB800  }
0x7f: {  	_ =	swait.ge @!p0 [sflag:s0], $0x4800  }
0x80: {  	[sflag:s0] =	ssyncset.done @!p0 $0x0  }
0x81: {  	[sflag:s0] =	ssyncadd.s32 @!p0 $0xFFFFB800;
	s0 =	simm.s32 $0x0  }
0x82: {  	v3 =	vld [tilespmem:s0+$0x2570]  }
0x83: {  	v6 =	vld [tilespmem:s0+$0xB530]  }
0x84: {  	v10 =	vld [tilespmem:s0+$0x2540]  }
0x85: {  	v2 =	vld [tilespmem:s0+$0x2530]  }
0x86: {  	v5 =	vld [tilespmem:s0+$0x9100]  }
0x87: {  	v4 =	vld [tilespmem:s0+$0xB500]  }
0x88: {  	v11 =	vld [tilespmem:s0+$0x2550]  }
0x89: {  	v7 =	vld [tilespmem:s0+$0x9110];
	v3 =	vmul.f32 v0, v3;
	v9 =	vperm.xlane v6, v1  }
0x8a: {  	v8 =	vld [tilespmem:s0+$0xB510]  }
0x8b: {  	v15 =	vld [tilespmem:s0+$0x2560];
	v6 =	vmul.f32 v6, v2;
	v12 =	vmul.f32 v9, v3  }
0x8c: {  	v13 =	vmul.f32 v0, v10;
	v9 =	vld [tilespmem:s0+$0x9120]  }
0x8d: {  	v10 =	vld [tilespmem:s0+$0xB520];
	v14 =	vperm.xlane v5, v1;
	v16 =	vperm.xlane v4, v1;
	v12 =	vadd.f32 v12, v6  }
0x8e: {  	v11 =	vmul.f32 v0, v11;
	v18 =	vperm.xlane v7, v1;
	v6 =	vld [tilespmem:s0+$0x9130]  }
0x8f: {  	v19 =	vld [tilespmem:s0+$0x2500];
	v20 =	vperm.xlane v8, v1;
	[tilespmem:s0+$0x14530] =	vst v12;
	v12 =	vmul.f32 v14, v13  }
0x90: {  	v17 =	vld [tilespmem:s0+$0x2510];
	v13 =	vmul.f32 v16, v13;
	v14 =	vmul.f32 v18, v11  }
0x91: {  	s1 =	simm.s32 $0x80;
	v18 =	vmul.f32 v0, v15;
	v15 =	vld [tilespmem:s0+$0x2520];
	v21 =	vperm.xlane v9, v1  }
0x92: {  	s15 =	simm.s32 $0x400;
	v11 =	vmul.f32 v20, v11;
	v20 =	vperm.xlane v10, v1;
	v16 =	vld [tilespmem:s1+$0x2570]  }
.LBB2_5:
0x93: {  	p0 =	sne.s32 s15, $0x8E00;
	v22 =	vld [tilespmem:s1+$0xB530];
	v21 =	vmul.f32 v21, v18;
	v23 =	vperm.xlane v6, v1  }
0x94: {  	v24 =	vld [tilespmem:s1+$0x2540];
	v25 =	vmul.f32 v5, v19;
	v18 =	vmul.f32 v20, v18  }
0x95: {  	v19 =	vmul.f32 v4, v19;
	v20 =	vld [tilespmem:s1+$0x2530];
	v23 =	vmul.f32 v23, v3  }
0x96: {  	v7 =	vmul.f32 v7, v17;
	v8 =	vmul.f32 v8, v17;
	v5 =	vld [tilespmem:s1+$0x9100];
	v12 =	vadd.f32 v12, v25  }
0x97: {  	v13 =	vadd.f32 v13, v19;
	v9 =	vmul.f32 v9, v15;
	v10 =	vmul.f32 v10, v15;
	v4 =	vld [tilespmem:s1+$0xB500]  }
0x98: {  	v3 =	vmul.f32 v0, v16;
	v15 =	vld [tilespmem:s1+$0x2550];
	v16 =	vperm.xlane v22, v1;
	[tilespmem:s0+$0x12100] =	vst v12;
	v12 =	vadd.f32 v14, v7  }
0x99: {  	v11 =	vadd.f32 v11, v8;
	v14 =	vmul.f32 v0, v24;
	v7 =	vld [tilespmem:s1+$0x9110];
	[tilespmem:s0+$0x14500] =	vst v13;
	v24 =	vmul.f32 v6, v2  }
0x9a: {  	v8 =	vld [tilespmem:s1+$0xB510];
	v6 =	vmul.f32 v22, v20;
	v13 =	vmul.f32 v16, v3;
	[tilespmem:s0+$0x12110] =	vst v12;
	v12 =	vadd.f32 v21, v9  }
0x9b: {  	v16 =	vperm.xlane v5, v1;
	v21 =	vld [tilespmem:s1+$0x2560];
	[tilespmem:s0+$0x14510] =	vst v11;
	v11 =	vadd.f32 v18, v10;
	v17 =	vadd.f32 v23, v24  }
0x9c: {  	v2 =	vmov v20;
	v18 =	vperm.xlane v4, v1;
	v9 =	vld [tilespmem:s1+$0x9120];
	v19 =	vadd.f32 v13, v6;
	[tilespmem:s0+$0x12120] =	vst v12  }
0x9d: {  	v12 =	vmul.f32 v16, v14;
	v15 =	vmul.f32 v0, v15;
	v10 =	vld [tilespmem:s1+$0xB520];
	[tilespmem:s0+$0x14520] =	vst v11  }
.Ltmp1:
0x9e: {  	v13 =	vmul.f32 v18, v14;
	v11 =	vperm.xlane v7, v1;
	v6 =	vld [tilespmem:s1+$0x9130];
	[tilespmem:s1+$0x14530] =	vst v19;
	(pc) =	sbr.rel @p0 .LBB2_5-.Ltmp1, $4  }
0x9f: {  	v19 =	vld [tilespmem:s1+$0x2500];
	v16 =	vperm.xlane v8, v1;
	[tilespmem:s0+$0x12130] =	vst v17;
	s0 =	smov.u32 s1  }
0xa0: {  	v17 =	vld [tilespmem:s0+$0x2510];
	v14 =	vmul.f32 v11, v15;
	v18 =	vmul.f32 v0, v21  }
0xa1: {  	s1 =	sshra.s32 s15, $0x2;
	v11 =	vmul.f32 v16, v15;
	v15 =	vld [tilespmem:s0+$0x2520];
	v21 =	vperm.xlane v9, v1  }
0xa2: {  	s15 =	sadd.s32 $0x200, s15;
	v16 =	vld [tilespmem:s1+$0x2570];
	v20 =	vperm.xlane v10, v1  }
0xa3: {  	v22 =	vld [tilespmem:s1+$0xB530]  }
0xa4: {  	v23 =	vld [tilespmem:s1+$0x2540];
	v5 =	vmul.f32 v5, v19  }
0xa5: {  	v24 =	vld [tilespmem:s1+$0x2530];
	v40 =	vmul.f32 v21, v18;
	v4 =	vmul.f32 v4, v19  }
0xa6: {  	v25 =	vld [tilespmem:s1+$0x9100];
	v45 =	vperm.xlane v6, v1;
	v7 =	vmul.f32 v7, v17;
	v5 =	vadd.f32 v12, v5  }
0xa7: {  	v38 =	vld [tilespmem:s1+$0xB500];
	v8 =	vmul.f32 v8, v17;
	v4 =	vadd.f32 v13, v4;
	v9 =	vmul.f32 v9, v15  }
0xa8: {  	v39 =	vld [tilespmem:s1+$0x2550];
	v7 =	vadd.f32 v14, v7;
	v43 =	vmul.f32 v0, v16;
	[tilespmem:s0+$0x12100] =	vst v5;
	v44 =	vperm.xlane v22, v1  }
0xa9: {  	v41 =	vmul.f32 v20, v18;
	v10 =	vmul.f32 v10, v15;
	v8 =	vadd.f32 v11, v8;
	v5 =	vld [tilespmem:s1+$0x9110];
	[tilespmem:s0+$0x14500] =	vst v4  }
0xaa: {  	v9 =	vadd.f32 v40, v9;
	v47 =	vmul.f32 v22, v24;
	v4 =	vld [tilespmem:s1+$0xB510];
	[tilespmem:s0+$0x12110] =	vst v7;
	v15 =	vmul.f32 v44, v43  }
0xab: {  	v2 =	vmul.f32 v6, v2;
	v3 =	vmul.f32 v45, v3;
	v7 =	vadd.f32 v41, v10;
	v42 =	vld [tilespmem:s1+$0x2560];
	[tilespmem:s0+$0x14510] =	vst v8  }
0xac: {  	v46 =	vld [tilespmem:s1+$0x9120];
	[tilespmem:s0+$0x12120] =	vst v9;
	v48 =	vadd.f32 v15, v47  }
0xad: {  	v2 =	vadd.f32 v3, v2;
	v49 =	vmul.f32 v0, v23;
	v50 =	vperm.xlane v25, v1;
	v9 =	vld [tilespmem:s1+$0xB520];
	[tilespmem:s0+$0x14520] =	vst v7  }
0xae: {  	[tilespmem:s1+$0x14530] =	vst v48;
	v3 =	vld [tilespmem:s1+$0x2500]  }
0xaf: {  	v51 =	vperm.xlane v38, v1;
	v10 =	vmul.f32 v50, v49;
	v7 =	vld [tilespmem:s1+$0x9130];
	[tilespmem:s0+$0x12130] =	vst v2  }
0xb0: {  	v52 =	vperm.xlane v5, v1;
	v2 =	vmul.f32 v0, v39;
	v53 =	vld [tilespmem:s1+$0x2510]  }
0xb1: {  	v6 =	vmul.f32 v51, v49;
	v54 =	vperm.xlane v4, v1  }
0xb2: {  	v11 =	vmul.f32 v0, v42;
	v55 =	vld [tilespmem:s1+$0x2520];
	v15 =	vmul.f32 v52, v2  }
0xb3: {  	v2 =	vmul.f32 v54, v2;
	v56 =	vmul.f32 v25, v3  }
0xb4: {  	v57 =	vperm.xlane v46, v1;
	v3 =	vmul.f32 v38, v3  }
0xb5: {  	v58 =	vperm.xlane v9, v1;
	v8 =	vadd.f32 v10, v56;
	v5 =	vmul.f32 v5, v53  }
0xb6: {  	v59 =	vmul.f32 v57, v11;
	v4 =	vmul.f32 v4, v53;
	v3 =	vadd.f32 v6, v3  }
0xb7: {  	v60 =	vperm.xlane v7, v1;
	v13 =	vmul.f32 v46, v55;
	[tilespmem:s1+$0x12100] =	vst v8;
	v5 =	vadd.f32 v15, v5  }
0xb8: {  	s30 =	sadd.s32 $0x1, s30;
	v61 =	vmul.f32 v58, v11;
	v9 =	vmul.f32 v9, v55;
	[tilespmem:s1+$0x14500] =	vst v3;
	v2 =	vadd.f32 v2, v4  }
0xb9: {  	p0 =	sne.s32 s30, $0x40;
	v62 =	vmul.f32 v7, v24;
	v3 =	vmul.f32 v60, v43;
	v63 =	vadd.f32 v59, v13;
	[tilespmem:s1+$0x12110] =	vst v5  }
.Ltmp2:
0xba: {  	[tilespmem:s1+$0x14510] =	vst v2;
	v2 =	vadd.f32 v61, v9;
	(pc) =	sbr.rel @p0 .LBB2_2-.Ltmp2, $4  }
0xbb: {  	v3 =	vadd.f32 v3, v62;
	[tilespmem:s1+$0x12120] =	vst v63  }
0xbc: {  	[tilespmem:s1+$0x14520] =	vst v2  }
0xbd: {  	s31 =	sadd.s32 s6, s31;
	[tilespmem:s1+$0x12130] =	vst v3  }
0xbe: {  	[hbm4b:s31+s16] =	stream.strided.scatter [tilespmem:s25], [sflag:$0x4], $0x4800, s17, s16, $0x38;
	[tilespmem:$0x16900] =	vst v63  }
0xbf: {  	s29 =	sadd.s32 $0x1, s29  }
0xc0: {  	_ =	swait.ge [sflag:s26], $0x4800;
	p0 =	sne.s32 s29, s12  }
.Ltmp3:
0xc1: {  	[sflag:s26] =	ssyncset.done $0x0;
	(pc) =	sbr.rel @p0 .LBB2_1-.Ltmp3, $4  }
0xc2: {  	[sflag:s26] =	ssyncadd.s32 $0xFFFFB800  }
0xc3: {  	_ =	swait.ge [sflag:s28], $0x4800  }
0xc4: {  	[sflag:s28] =	ssyncset.done $0x0  }
0xc5: {  	[sflag:s28] =	ssyncadd.s32 $0xFFFFB800  }
0xc6: {  	_ =	sfence.sel $0x180000  }
0xc7: {  	[bflag:$0x0] =	sbarrier.arrive $0xFFFF  }
0xc8: {  	_ =	strace $0x90000047  }
0xc9: {  	s0 =	stileid.u32;
	[bflag:$0x2] =	sbarrier.arrive $0xFFFF  }
0xca: {  	p0 =	sne.s32 s0, $0x0;
	s0 =	rddreg [dreg:$0x2]  }
0xcb: {  	s0 =	sadd.s32 @!p0 $0x100000, s0  }
0xcc: {  	[sflag:s0] =	ssyncadd.tile.s32 @!p0 $0x1;
	_ =	shalt  }
.Lfunc_end2:
_tile_overlayer_lowered:
.L_overlay_start_2:
0xcd: {  	(tag) =	ssettag $0x2  }
0xce: {  	s0 =	rddreg [dreg:$0x0];
	s2 =	stileid.u32  }
0xcf: {  	s1 =	rddreg [dreg:$0x1];
	p0 =	sne.s32 s2, $0x0  }
0xd0: {  	s3 =	rddreg [dreg:$0x2];
	[bflag:$0x3] =	sbarrier.arrive $0xFFFF;
	s2 =	simm.s32 @!p0 $0x1C05  }
0xd1: {  	[timem:s3], [sflag:s2] =	dma.local @!p0 [hbm:s0], s1  }
0xd2: {  	s0 =	simm.s32 @!p0 $0x5  }
0xd3: {  	_ =	swait.ge @!p0 [sflag:s0], s1  }
0xd4: {  	s1 =	ssub.s32 @!p0 $0x0, s1;
	[sflag:s0] =	ssyncset.done @!p0 $0x0  }
0xd5: {  	[sflag:s0] =	ssyncadd.s32 @!p0 s1  }
0xd6: {  	[bflag:$0x3] =	sbarrier.arrive $0xFFFF  }
0xd7: {  	_ =	shalt  }

</sc_bundles>
